<compile_context>
chip_gen: v7x
topology: tpu7x:2x2x1
jax: 0.10.2.dev20260603
libtpu: 0.0.44.dev20260713+nightly
codegen_flags: <defaults>
</compile_context>

<pallas_src>
import functools

import jax
import jax.numpy as jnp
from jax import lax
from jax.experimental import pallas as pl
from jax.experimental.pallas import tpu as pltpu
from jax.experimental.pallas import tpu_sc as plsc

N = 160000
D = 256
S = 10000
L = 16
CH = D // L
NC = 2
NS = 16
NW = NC * NS
RPW = N // NW
C = 64
BS_ITERS = 18
NEG_INF = float("-inf")


def _pool_body(x_hbm, b_hbm, out_hbm, xbuf, idbuf, headbuf, tailbuf, probebuf,
               stage, zeros):
    wid = lax.axis_index("s") * NC + lax.axis_index("c")
    r0 = wid * RPW
    r1 = r0 + RPW

    @pl.when(wid > 0)
    def _():
        pltpu.sync_copy(b_hbm.at[pl.ds(pl.multiple_of(r0 - L, 8), L)],
                        headbuf)

    @pl.when(wid == 0)
    def _():
        headbuf[...] = jnp.full((L,), -1, jnp.int32)

    pltpu.sync_copy(b_hbm.at[pl.ds(pl.multiple_of(r1 - L, 8), L)], tailbuf)

    prev_seg = headbuf[...][L - 1]
    last_seg = tailbuf[...][L - 1]
    zlo = prev_seg + 1
    zhi = jnp.where(wid == NW - 1, S - 1, last_seg)

    for j in range(2 * CH):
        zeros[pl.ds(j * L, L)] = jnp.zeros((L,), jnp.float32)

    not_last = wid < NW - 1

    @pl.when(not_last)
    def _():
        pltpu.sync_copy(b_hbm.at[pl.ds(pl.multiple_of(r1, 8), L)],
                        probebuf.at[pl.ds(0, L)])

    peek = probebuf[pl.ds(0, L)]
    lane = lax.iota(jnp.int32, L)
    ffs = jnp.min(jnp.where(peek != last_seg, lane, jnp.int32(L)))
    found = ffs < L
    bs_lo = jnp.where(found, r1 + ffs - 1, r1 + L - 1)
    bs_hi = jnp.where(found, r1 + ffs, N)
    bs_lo = jnp.where(not_last, bs_lo, N - 1)
    bs_hi = jnp.where(not_last, bs_hi, N)

    def bs_body(t, carry):
        lo, hi = carry
        act = (hi - lo) > 1
        mid = lax.div(lo + hi, 2)
        base = jnp.minimum(mid & ~jnp.int32(7), N - L)
        off = mid - base

        @pl.when(act)
        def _():
            pltpu.sync_copy(b_hbm.at[pl.ds(pl.multiple_of(base, 8), L)],
                            probebuf.at[pl.ds(0, L)])

        v = probebuf[pl.ds(off, L)][0]
        go_right = v == last_seg
        lo = jnp.where(jnp.logical_and(act, go_right), mid, lo)
        hi = jnp.where(jnp.logical_and(act, jnp.logical_not(go_right)),
                       mid, hi)
        return lo, hi

    _, re = lax.fori_loop(0, BS_ITERS, bs_body, (bs_lo, bs_hi))

    def zero_fill(lo, hi):
        lo = jnp.maximum(lo, zlo)

        def zbody(g, carry):
            pltpu.sync_copy(zeros, out_hbm.at[g])
            return carry

        lax.fori_loop(lo, jnp.maximum(lo, hi), zbody, 0)

    def flush(s_old, cnt, sums, maxs):
        @pl.when(s_old >= zlo)
        def _():
            inv = 1.0 / jnp.full((L,), cnt, jnp.float32)
            for j in range(CH):
                stage[pl.ds(j * L, L)] = sums[j] * inv
                stage[pl.ds(D + j * L, L)] = maxs[j]
            pltpu.sync_copy(stage, out_hbm.at[s_old])

    zero_v = jnp.zeros((L,), jnp.float32)
    ninf_v = jnp.full((L,), NEG_INF, jnp.float32)
    init_sums = (zero_v,) * CH
    init_maxs = (ninf_v,) * CH

    k0 = r0 // C
    kend = lax.div(re + C - 1, jnp.int32(C))

    def chunk_step(k, state):
        cur_seg, cnt, sums, maxs = state
        c = k * C
        pltpu.sync_copy(x_hbm.at[pl.ds(c, C)], xbuf)
        pltpu.sync_copy(b_hbm.at[pl.ds(pl.multiple_of(c, 8), C)],
                        idbuf.at[pl.ds(0, C)])

        def row_body(i, carry):
            cur_seg, cnt, sums, maxs = carry
            g = c + i
            seg = idbuf[pl.ds(i, L)][0]

            def do_row(args):
                cur_seg, cnt, sums, maxs = args

                def do_flush(args):
                    cur_seg, cnt, sums, maxs = args
                    flush(cur_seg, cnt, sums, maxs)
                    zero_fill(cur_seg + 1, seg)
                    return seg, jnp.int32(0), init_sums, init_maxs

                cur_seg, cnt, sums, maxs = lax.cond(
                    seg != cur_seg, do_flush, lambda a: a,
                    (cur_seg, cnt, sums, maxs))
                new_sums = tuple(
                    sums[j] + xbuf[i, pl.ds(j * L, L)] for j in range(CH))
                new_maxs = tuple(
                    jnp.maximum(maxs[j], xbuf[i, pl.ds(j * L, L)])
                    for j in range(CH))
                return cur_seg, cnt + 1, new_sums, new_maxs

            return lax.cond(g < re, do_row, lambda a: a,
                            (cur_seg, cnt, sums, maxs))

        return lax.fori_loop(0, C, row_body, (cur_seg, cnt, sums, maxs))

    init = (prev_seg, jnp.int32(0), init_sums, init_maxs)
    cur_seg, cnt, sums, maxs = lax.fori_loop(k0, kend, chunk_step, init)

    flush(cur_seg, cnt, sums, maxs)
    zero_fill(cur_seg + 1, zhi + 1)


@jax.jit
def _pooling(x, batch):
    mesh = plsc.VectorSubcoreMesh(core_axis_name="c", subcore_axis_name="s")
    return pl.kernel(
        _pool_body,
        out_type=jax.ShapeDtypeStruct((S, 2 * D), jnp.float32),
        mesh=mesh,
        compiler_params=pltpu.CompilerParams(needs_layout_passes=False),
        scratch_types=[
            pltpu.VMEM((C, D), jnp.float32),
            pltpu.VMEM((C + L, ), jnp.int32),
            pltpu.VMEM((L,), jnp.int32),
            pltpu.VMEM((L,), jnp.int32),
            pltpu.VMEM((2 * L,), jnp.int32),
            pltpu.VMEM((2 * D,), jnp.float32),
            pltpu.VMEM((2 * D,), jnp.float32),
        ],
    )(x, batch)


def kernel(x, batch):
    return _pooling(x, batch.astype(jnp.int32))

# --- scband reference (transcript-rebuilt; emitter-appended) ---
"""Pipeline reference for scband-particle-net-pooling-65773129171009 (READ-ONLY COPY).

The authoritative reference and input builder live on the scoring server;
editing this copy changes nothing except your own understanding.
"""

import jax, jax.numpy as jnp
import numpy as np

N = 160000
D = 256
S = 10000

def setup_inputs(seed: int = 0) -> dict:
    key = jax.random.key(seed)
    k1, k2 = jax.random.split(key)
    x = jax.random.normal(k1, (N, D), dtype=jnp.float32)
    batch = jnp.sort(jax.random.randint(k2, (N,), 0, S, dtype=jnp.int64))
    return {"x": x, "batch": batch}

def reference(x, batch):
    # ParticleNetPooling with pooling='meanmax':
    #   pooled_mean = scatter_mean(x, batch, dim=0)
    #   pooled_max  = scatter_max(x, batch, dim=0)[0]
    #   return cat((pooled_mean, pooled_max), dim=-1)
    sums = jax.ops.segment_sum(x, batch, num_segments=S, indices_are_sorted=True)
    counts = jax.ops.segment_sum(jnp.ones((x.shape[0], 1), dtype=x.dtype), batch,
                                 num_segments=S, indices_are_sorted=True)
    pooled_mean = jnp.where(counts > 0, sums / jnp.maximum(counts, 1.0), 0.0)
    pooled_max = jax.ops.segment_max(x, batch, num_segments=S, indices_are_sorted=True)
    pooled_max = jnp.where(counts > 0, pooled_max, 0.0)  # empty segments -> 0 (match torch_scatter zero-init)
    return jnp.concatenate((pooled_mean, pooled_max), axis=-1)

if __name__ == "__main__":
    import jax
    _d = setup_inputs()
    print(jax.jit(kernel)(*tuple(_d.values())))

</pallas_src>

<mosaic_0001>
#map = affine_map<(d0, d1) -> (0, 0)>
#map1 = affine_map<(d0, d1) -> (0)>
module attributes {stable_mosaic.version = 14 : i64} {
  func.func @_pool_body(%arg0: i32, %arg1: i32, %arg2: memref<160000x256xf32, #tpu.memory_space<hbm>>, %arg3: memref<160000xi32, #tpu.memory_space<hbm>>, %arg4: memref<10000x512xf32, #tpu.memory_space<hbm>>, %arg5: memref<64x256xf32, #tpu.memory_space<vmem>>, %arg6: memref<80xi32, #tpu.memory_space<vmem>>, %arg7: memref<16xi32, #tpu.memory_space<vmem>>, %arg8: memref<16xi32, #tpu.memory_space<vmem>>, %arg9: memref<32xi32, #tpu.memory_space<vmem>>, %arg10: memref<512xf32, #tpu.memory_space<vmem>>, %arg11: memref<512xf32, #tpu.memory_space<vmem>>) attributes {dimension_semantics = [#tpu.dimension_semantics<core_parallel>, #tpu.dimension_semantics<subcore_parallel>], iteration_bounds = array<i64: 2, 16>, scalar_prefetch = 0 : i64, scratch_operands = 7 : i64, tpu.core_type = #tpu.core_type<sc_vector_subcore>, window_params = [{transform_indices = #map}, {transform_indices = #map1}, {transform_indices = #map}]} {
    %mul3A = arith.constant 2 : i32
    %mul3A_0 = arith.muli %arg1, %mul3A : i32
    %add3A = arith.addi %mul3A_0, %arg0 : i32
    %mul3A_1 = arith.constant 5000 : i32
    %mul3A_2 = arith.muli %add3A, %mul3A_1 : i32
    %add3A_3 = arith.constant 5000 : i32
    %add3A_4 = arith.addi %mul3A_2, %add3A_3 : i32
    %gt3A = arith.constant 0 : i32
    %gt3A_5 = arith.cmpi sgt, %add3A, %gt3A : i32
    %convert_element_type3A = arith.extui %gt3A_5 : i1 to i32
    %cond3A = arith.constant 0 : i32
    %cond3A_6 = arith.cmpi ne, %convert_element_type3A, %cond3A : i32
    scf.if %cond3A_6 {
      %sub3A_243 = arith.constant 16 : i32
      %sub3A_244 = arith.subi %mul3A_2, %sub3A_243 : i32
      %multiple_of3A_245 = tpu.assume_multiple %sub3A_244, 8 : i32
      "tpu.region"() ({
        %run_scoped3A = tpu.sem_alloc : memref<!tpu.dma_semaphore, #tpu.memory_space<semaphore_mem>>
        %dma_start3A = tpu.memref_slice %arg3[%multiple_of3A_245] : memref<160000xi32, #tpu.memory_space<hbm>> -> memref<16xi32, #tpu.memory_space<hbm>>
        %dma_start3A_246 = tpu.memref_slice %arg3[%multiple_of3A_245] : memref<160000xi32, #tpu.memory_space<hbm>> -> memref<16xi32, #tpu.memory_space<hbm>>
        tpu.enqueue_dma source(%dma_start3A_246 : memref<16xi32, #tpu.memory_space<hbm>>) target(%arg7 : memref<16xi32, #tpu.memory_space<vmem>>) target_semaphore(%run_scoped3A : memref<!tpu.dma_semaphore, #tpu.memory_space<semaphore_mem>>)
        %dma_wait3A = tpu.memref_slice %arg3[%multiple_of3A_245] : memref<160000xi32, #tpu.memory_space<hbm>> -> memref<16xi32, #tpu.memory_space<hbm>>
        %dma_wait3A_247 = tpu.memref_slice %arg3[%multiple_of3A_245] : memref<160000xi32, #tpu.memory_space<hbm>> -> memref<16xi32, #tpu.memory_space<hbm>>
        tpu.wait_dma2 semaphore(%run_scoped3A : memref<!tpu.dma_semaphore, #tpu.memory_space<semaphore_mem>>) src(%dma_wait3A_247 : memref<16xi32, #tpu.memory_space<hbm>>) dst(%arg7 : memref<16xi32, #tpu.memory_space<vmem>>)
        tpu.yield
      }) : () -> ()
    } else {
    }
    %eq3A = arith.constant 0 : i32
    %eq3A_7 = arith.cmpi eq, %add3A, %eq3A : i32
    %convert_element_type3A_8 = arith.extui %eq3A_7 : i1 to i32
    %cond3A_9 = arith.constant 0 : i32
    %cond3A_10 = arith.cmpi ne, %convert_element_type3A_8, %cond3A_9 : i32
    scf.if %cond3A_10 {
      %broadcast_in_dim3A_243 = arith.constant -1 : i32
      %broadcast_in_dim3A_244 = vector.broadcast %broadcast_in_dim3A_243 : i32 to vector<16xi32>
      %swap3A_245 = arith.constant 0 : index
      %swap3A_246 = tpu.vector_load %arg7[%swap3A_245] {strides = array<i32>} : memref<16xi32, #tpu.memory_space<vmem>>, vector<16xi32>,
      tpu.vector_store %arg7[%swap3A_245], %broadcast_in_dim3A_244 {strides = array<i32>} : memref<16xi32, #tpu.memory_space<vmem>>, vector<16xi32>,
    } else {
    }
    %sub3A = arith.constant 16 : i32
    %sub3A_11 = arith.subi %add3A_4, %sub3A : i32
    %multiple_of3A = tpu.assume_multiple %sub3A_11, 8 : i32
    "tpu.region"() ({
      %run_scoped3A = tpu.sem_alloc : memref<!tpu.dma_semaphore, #tpu.memory_space<semaphore_mem>>
      %dma_start3A = tpu.memref_slice %arg3[%multiple_of3A] : memref<160000xi32, #tpu.memory_space<hbm>> -> memref<16xi32, #tpu.memory_space<hbm>>
      %dma_start3A_243 = tpu.memref_slice %arg3[%multiple_of3A] : memref<160000xi32, #tpu.memory_space<hbm>> -> memref<16xi32, #tpu.memory_space<hbm>>
      tpu.enqueue_dma source(%dma_start3A_243 : memref<16xi32, #tpu.memory_space<hbm>>) target(%arg8 : memref<16xi32, #tpu.memory_space<vmem>>) target_semaphore(%run_scoped3A : memref<!tpu.dma_semaphore, #tpu.memory_space<semaphore_mem>>)
      %dma_wait3A = tpu.memref_slice %arg3[%multiple_of3A] : memref<160000xi32, #tpu.memory_space<hbm>> -> memref<16xi32, #tpu.memory_space<hbm>>
      %dma_wait3A_244 = tpu.memref_slice %arg3[%multiple_of3A] : memref<160000xi32, #tpu.memory_space<hbm>> -> memref<16xi32, #tpu.memory_space<hbm>>
      tpu.wait_dma2 semaphore(%run_scoped3A : memref<!tpu.dma_semaphore, #tpu.memory_space<semaphore_mem>>) src(%dma_wait3A_244 : memref<16xi32, #tpu.memory_space<hbm>>) dst(%arg8 : memref<16xi32, #tpu.memory_space<vmem>>)
      tpu.yield
    }) : () -> ()
    %get3A = arith.constant 0 : index
    %get3A_12 = tpu.vector_load %arg7[%get3A] {strides = array<i32>} : memref<16xi32, #tpu.memory_space<vmem>>, vector<16xi32>,
    %slice3A = vector.extract_strided_slice %get3A_12 {offsets = [15], sizes = [1], strides = [1]} : vector<16xi32> to vector<1xi32>
    %squeeze3A = vector.extract %slice3A[0] : i32 from vector<1xi32>
    %get3A_13 = arith.constant 0 : index
    %get3A_14 = tpu.vector_load %arg8[%get3A_13] {strides = array<i32>} : memref<16xi32, #tpu.memory_space<vmem>>, vector<16xi32>,
    %slice3A_15 = vector.extract_strided_slice %get3A_14 {offsets = [15], sizes = [1], strides = [1]} : vector<16xi32> to vector<1xi32>
    %squeeze3A_16 = vector.extract %slice3A_15[0] : i32 from vector<1xi32>
    %add3A_17 = arith.constant 1 : i32
    %add3A_18 = arith.addi %squeeze3A, %add3A_17 : i32
    %eq3A_19 = arith.constant 31 : i32
    %eq3A_20 = arith.cmpi eq, %add3A, %eq3A_19 : i32
    %jit3A = arith.constant 9999 : i32
    %select_n3A = arith.select %eq3A_20, %jit3A, %squeeze3A_16 : i32
    %broadcast_in_dim3A = arith.constant 0.000000e+00 : f32
    %broadcast_in_dim3A_21 = vector.broadcast %broadcast_in_dim3A : f32 to vector<16xf32>
    %swap3A = arith.constant 0 : index
    %swap3A_22 = tpu.vector_load %arg11[%swap3A] {strides = array<i32>} : memref<512xf32, #tpu.memory_space<vmem>>, vector<16xf32>,
    tpu.vector_store %arg11[%swap3A], %broadcast_in_dim3A_21 {strides = array<i32>} : memref<512xf32, #tpu.memory_space<vmem>>, vector<16xf32>,
    %broadcast_in_dim3A_23 = arith.constant 0.000000e+00 : f32
    %broadcast_in_dim3A_24 = vector.broadcast %broadcast_in_dim3A_23 : f32 to vector<16xf32>
    %swap3A_25 = arith.constant 16 : index
    %swap3A_26 = tpu.vector_load %arg11[%swap3A_25] {strides = array<i32>} : memref<512xf32, #tpu.memory_space<vmem>>, vector<16xf32>,
    tpu.vector_store %arg11[%swap3A_25], %broadcast_in_dim3A_24 {strides = array<i32>} : memref<512xf32, #tpu.memory_space<vmem>>, vector<16xf32>,
    %broadcast_in_dim3A_27 = arith.constant 0.000000e+00 : f32
    %broadcast_in_dim3A_28 = vector.broadcast %broadcast_in_dim3A_27 : f32 to vector<16xf32>
    %swap3A_29 = arith.constant 32 : index
    %swap3A_30 = tpu.vector_load %arg11[%swap3A_29] {strides = array<i32>} : memref<512xf32, #tpu.memory_space<vmem>>, vector<16xf32>,
    tpu.vector_store %arg11[%swap3A_29], %broadcast_in_dim3A_28 {strides = array<i32>} : memref<512xf32, #tpu.memory_space<vmem>>, vector<16xf32>,
    %broadcast_in_dim3A_31 = arith.constant 0.000000e+00 : f32
    %broadcast_in_dim3A_32 = vector.broadcast %broadcast_in_dim3A_31 : f32 to vector<16xf32>
    %swap3A_33 = arith.constant 48 : index
    %swap3A_34 = tpu.vector_load %arg11[%swap3A_33] {strides = array<i32>} : memref<512xf32, #tpu.memory_space<vmem>>, vector<16xf32>,
    tpu.vector_store %arg11[%swap3A_33], %broadcast_in_dim3A_32 {strides = array<i32>} : memref<512xf32, #tpu.memory_space<vmem>>, vector<16xf32>,
    %broadcast_in_dim3A_35 = arith.constant 0.000000e+00 : f32
    %broadcast_in_dim3A_36 = vector.broadcast %broadcast_in_dim3A_35 : f32 to vector<16xf32>
    %swap3A_37 = arith.constant 64 : index
    %swap3A_38 = tpu.vector_load %arg11[%swap3A_37] {strides = array<i32>} : memref<512xf32, #tpu.memory_space<vmem>>, vector<16xf32>,
    tpu.vector_store %arg11[%swap3A_37], %broadcast_in_dim3A_36 {strides = array<i32>} : memref<512xf32, #tpu.memory_space<vmem>>, vector<16xf32>,
    %broadcast_in_dim3A_39 = arith.constant 0.000000e+00 : f32
    %broadcast_in_dim3A_40 = vector.broadcast %broadcast_in_dim3A_39 : f32 to vector<16xf32>
    %swap3A_41 = arith.constant 80 : index
    %swap3A_42 = tpu.vector_load %arg11[%swap3A_41] {strides = array<i32>} : memref<512xf32, #tpu.memory_space<vmem>>, vector<16xf32>,
    tpu.vector_store %arg11[%swap3A_41], %broadcast_in_dim3A_40 {strides = array<i32>} : memref<512xf32, #tpu.memory_space<vmem>>, vector<16xf32>,
    %broadcast_in_dim3A_43 = arith.constant 0.000000e+00 : f32
    %broadcast_in_dim3A_44 = vector.broadcast %broadcast_in_dim3A_43 : f32 to vector<16xf32>
    %swap3A_45 = arith.constant 96 : index
    %swap3A_46 = tpu.vector_load %arg11[%swap3A_45] {strides = array<i32>} : memref<512xf32, #tpu.memory_space<vmem>>, vector<16xf32>,
    tpu.vector_store %arg11[%swap3A_45], %broadcast_in_dim3A_44 {strides = array<i32>} : memref<512xf32, #tpu.memory_space<vmem>>, vector<16xf32>,
    %broadcast_in_dim3A_47 = arith.constant 0.000000e+00 : f32
    %broadcast_in_dim3A_48 = vector.broadcast %broadcast_in_dim3A_47 : f32 to vector<16xf32>
    %swap3A_49 = arith.constant 112 : index
    %swap3A_50 = tpu.vector_load %arg11[%swap3A_49] {strides = array<i32>} : memref<512xf32, #tpu.memory_space<vmem>>, vector<16xf32>,
    tpu.vector_store %arg11[%swap3A_49], %broadcast_in_dim3A_48 {strides = array<i32>} : memref<512xf32, #tpu.memory_space<vmem>>, vector<16xf32>,
    %broadcast_in_dim3A_51 = arith.constant 0.000000e+00 : f32
    %broadcast_in_dim3A_52 = vector.broadcast %broadcast_in_dim3A_51 : f32 to vector<16xf32>
    %swap3A_53 = arith.constant 128 : index
    %swap3A_54 = tpu.vector_load %arg11[%swap3A_53] {strides = array<i32>} : memref<512xf32, #tpu.memory_space<vmem>>, vector<16xf32>,
    tpu.vector_store %arg11[%swap3A_53], %broadcast_in_dim3A_52 {strides = array<i32>} : memref<512xf32, #tpu.memory_space<vmem>>, vector<16xf32>,
    %broadcast_in_dim3A_55 = arith.constant 0.000000e+00 : f32
    %broadcast_in_dim3A_56 = vector.broadcast %broadcast_in_dim3A_55 : f32 to vector<16xf32>
    %swap3A_57 = arith.constant 144 : index
    %swap3A_58 = tpu.vector_load %arg11[%swap3A_57] {strides = array<i32>} : memref<512xf32, #tpu.memory_space<vmem>>, vector<16xf32>,
    tpu.vector_store %arg11[%swap3A_57], %broadcast_in_dim3A_56 {strides = array<i32>} : memref<512xf32, #tpu.memory_space<vmem>>, vector<16xf32>,
    %broadcast_in_dim3A_59 = arith.constant 0.000000e+00 : f32
    %broadcast_in_dim3A_60 = vector.broadcast %broadcast_in_dim3A_59 : f32 to vector<16xf32>
    %swap3A_61 = arith.constant 160 : index
    %swap3A_62 = tpu.vector_load %arg11[%swap3A_61] {strides = array<i32>} : memref<512xf32, #tpu.memory_space<vmem>>, vector<16xf32>,
    tpu.vector_store %arg11[%swap3A_61], %broadcast_in_dim3A_60 {strides = array<i32>} : memref<512xf32, #tpu.memory_space<vmem>>, vector<16xf32>,
    %broadcast_in_dim3A_63 = arith.constant 0.000000e+00 : f32
    %broadcast_in_dim3A_64 = vector.broadcast %broadcast_in_dim3A_63 : f32 to vector<16xf32>
    %swap3A_65 = arith.constant 176 : index
    %swap3A_66 = tpu.vector_load %arg11[%swap3A_65] {strides = array<i32>} : memref<512xf32, #tpu.memory_space<vmem>>, vector<16xf32>,
    tpu.vector_store %arg11[%swap3A_65], %broadcast_in_dim3A_64 {strides = array<i32>} : memref<512xf32, #tpu.memory_space<vmem>>, vector<16xf32>,
    %broadcast_in_dim3A_67 = arith.constant 0.000000e+00 : f32
    %broadcast_in_dim3A_68 = vector.broadcast %broadcast_in_dim3A_67 : f32 to vector<16xf32>
    %swap3A_69 = arith.constant 192 : index
    %swap3A_70 = tpu.vector_load %arg11[%swap3A_69] {strides = array<i32>} : memref<512xf32, #tpu.memory_space<vmem>>, vector<16xf32>,
    tpu.vector_store %arg11[%swap3A_69], %broadcast_in_dim3A_68 {strides = array<i32>} : memref<512xf32, #tpu.memory_space<vmem>>, vector<16xf32>,
    %broadcast_in_dim3A_71 = arith.constant 0.000000e+00 : f32
    %broadcast_in_dim3A_72 = vector.broadcast %broadcast_in_dim3A_71 : f32 to vector<16xf32>
    %swap3A_73 = arith.constant 208 : index
    %swap3A_74 = tpu.vector_load %arg11[%swap3A_73] {strides = array<i32>} : memref<512xf32, #tpu.memory_space<vmem>>, vector<16xf32>,
    tpu.vector_store %arg11[%swap3A_73], %broadcast_in_dim3A_72 {strides = array<i32>} : memref<512xf32, #tpu.memory_space<vmem>>, vector<16xf32>,
    %broadcast_in_dim3A_75 = arith.constant 0.000000e+00 : f32
    %broadcast_in_dim3A_76 = vector.broadcast %broadcast_in_dim3A_75 : f32 to vector<16xf32>
    %swap3A_77 = arith.constant 224 : index
    %swap3A_78 = tpu.vector_load %arg11[%swap3A_77] {strides = array<i32>} : memref<512xf32, #tpu.memory_space<vmem>>, vector<16xf32>,
    tpu.vector_store %arg11[%swap3A_77], %broadcast_in_dim3A_76 {strides = array<i32>} : memref<512xf32, #tpu.memory_space<vmem>>, vector<16xf32>,
    %broadcast_in_dim3A_79 = arith.constant 0.000000e+00 : f32
    %broadcast_in_dim3A_80 = vector.broadcast %broadcast_in_dim3A_79 : f32 to vector<16xf32>
    %swap3A_81 = arith.constant 240 : index
    %swap3A_82 = tpu.vector_load %arg11[%swap3A_81] {strides = array<i32>} : memref<512xf32, #tpu.memory_space<vmem>>, vector<16xf32>,
    tpu.vector_store %arg11[%swap3A_81], %broadcast_in_dim3A_80 {strides = array<i32>} : memref<512xf32, #tpu.memory_space<vmem>>, vector<16xf32>,
    %broadcast_in_dim3A_83 = arith.constant 0.000000e+00 : f32
    %broadcast_in_dim3A_84 = vector.broadcast %broadcast_in_dim3A_83 : f32 to vector<16xf32>
    %swap3A_85 = arith.constant 256 : index
    %swap3A_86 = tpu.vector_load %arg11[%swap3A_85] {strides = array<i32>} : memref<512xf32, #tpu.memory_space<vmem>>, vector<16xf32>,
    tpu.vector_store %arg11[%swap3A_85], %broadcast_in_dim3A_84 {strides = array<i32>} : memref<512xf32, #tpu.memory_space<vmem>>, vector<16xf32>,
    %broadcast_in_dim3A_87 = arith.constant 0.000000e+00 : f32
    %broadcast_in_dim3A_88 = vector.broadcast %broadcast_in_dim3A_87 : f32 to vector<16xf32>
    %swap3A_89 = arith.constant 272 : index
    %swap3A_90 = tpu.vector_load %arg11[%swap3A_89] {strides = array<i32>} : memref<512xf32, #tpu.memory_space<vmem>>, vector<16xf32>,
    tpu.vector_store %arg11[%swap3A_89], %broadcast_in_dim3A_88 {strides = array<i32>} : memref<512xf32, #tpu.memory_space<vmem>>, vector<16xf32>,
    %broadcast_in_dim3A_91 = arith.constant 0.000000e+00 : f32
    %broadcast_in_dim3A_92 = vector.broadcast %broadcast_in_dim3A_91 : f32 to vector<16xf32>
    %swap3A_93 = arith.constant 288 : index
    %swap3A_94 = tpu.vector_load %arg11[%swap3A_93] {strides = array<i32>} : memref<512xf32, #tpu.memory_space<vmem>>, vector<16xf32>,
    tpu.vector_store %arg11[%swap3A_93], %broadcast_in_dim3A_92 {strides = array<i32>} : memref<512xf32, #tpu.memory_space<vmem>>, vector<16xf32>,
    %broadcast_in_dim3A_95 = arith.constant 0.000000e+00 : f32
    %broadcast_in_dim3A_96 = vector.broadcast %broadcast_in_dim3A_95 : f32 to vector<16xf32>
    %swap3A_97 = arith.constant 304 : index
    %swap3A_98 = tpu.vector_load %arg11[%swap3A_97] {strides = array<i32>} : memref<512xf32, #tpu.memory_space<vmem>>, vector<16xf32>,
    tpu.vector_store %arg11[%swap3A_97], %broadcast_in_dim3A_96 {strides = array<i32>} : memref<512xf32, #tpu.memory_space<vmem>>, vector<16xf32>,
    %broadcast_in_dim3A_99 = arith.constant 0.000000e+00 : f32
    %broadcast_in_dim3A_100 = vector.broadcast %broadcast_in_dim3A_99 : f32 to vector<16xf32>
    %swap3A_101 = arith.constant 320 : index
    %swap3A_102 = tpu.vector_load %arg11[%swap3A_101] {strides = array<i32>} : memref<512xf32, #tpu.memory_space<vmem>>, vector<16xf32>,
    tpu.vector_store %arg11[%swap3A_101], %broadcast_in_dim3A_100 {strides = array<i32>} : memref<512xf32, #tpu.memory_space<vmem>>, vector<16xf32>,
    %broadcast_in_dim3A_103 = arith.constant 0.000000e+00 : f32
    %broadcast_in_dim3A_104 = vector.broadcast %broadcast_in_dim3A_103 : f32 to vector<16xf32>
    %swap3A_105 = arith.constant 336 : index
    %swap3A_106 = tpu.vector_load %arg11[%swap3A_105] {strides = array<i32>} : memref<512xf32, #tpu.memory_space<vmem>>, vector<16xf32>,
    tpu.vector_store %arg11[%swap3A_105], %broadcast_in_dim3A_104 {strides = array<i32>} : memref<512xf32, #tpu.memory_space<vmem>>, vector<16xf32>,
    %broadcast_in_dim3A_107 = arith.constant 0.000000e+00 : f32
    %broadcast_in_dim3A_108 = vector.broadcast %broadcast_in_dim3A_107 : f32 to vector<16xf32>
    %swap3A_109 = arith.constant 352 : index
    %swap3A_110 = tpu.vector_load %arg11[%swap3A_109] {strides = array<i32>} : memref<512xf32, #tpu.memory_space<vmem>>, vector<16xf32>,
    tpu.vector_store %arg11[%swap3A_109], %broadcast_in_dim3A_108 {strides = array<i32>} : memref<512xf32, #tpu.memory_space<vmem>>, vector<16xf32>,
    %broadcast_in_dim3A_111 = arith.constant 0.000000e+00 : f32
    %broadcast_in_dim3A_112 = vector.broadcast %broadcast_in_dim3A_111 : f32 to vector<16xf32>
    %swap3A_113 = arith.constant 368 : index
    %swap3A_114 = tpu.vector_load %arg11[%swap3A_113] {strides = array<i32>} : memref<512xf32, #tpu.memory_space<vmem>>, vector<16xf32>,
    tpu.vector_store %arg11[%swap3A_113], %broadcast_in_dim3A_112 {strides = array<i32>} : memref<512xf32, #tpu.memory_space<vmem>>, vector<16xf32>,
    %broadcast_in_dim3A_115 = arith.constant 0.000000e+00 : f32
    %broadcast_in_dim3A_116 = vector.broadcast %broadcast_in_dim3A_115 : f32 to vector<16xf32>
    %swap3A_117 = arith.constant 384 : index
    %swap3A_118 = tpu.vector_load %arg11[%swap3A_117] {strides = array<i32>} : memref<512xf32, #tpu.memory_space<vmem>>, vector<16xf32>,
    tpu.vector_store %arg11[%swap3A_117], %broadcast_in_dim3A_116 {strides = array<i32>} : memref<512xf32, #tpu.memory_space<vmem>>, vector<16xf32>,
    %broadcast_in_dim3A_119 = arith.constant 0.000000e+00 : f32
    %broadcast_in_dim3A_120 = vector.broadcast %broadcast_in_dim3A_119 : f32 to vector<16xf32>
    %swap3A_121 = arith.constant 400 : index
    %swap3A_122 = tpu.vector_load %arg11[%swap3A_121] {strides = array<i32>} : memref<512xf32, #tpu.memory_space<vmem>>, vector<16xf32>,
    tpu.vector_store %arg11[%swap3A_121], %broadcast_in_dim3A_120 {strides = array<i32>} : memref<512xf32, #tpu.memory_space<vmem>>, vector<16xf32>,
    %broadcast_in_dim3A_123 = arith.constant 0.000000e+00 : f32
    %broadcast_in_dim3A_124 = vector.broadcast %broadcast_in_dim3A_123 : f32 to vector<16xf32>
    %swap3A_125 = arith.constant 416 : index
    %swap3A_126 = tpu.vector_load %arg11[%swap3A_125] {strides = array<i32>} : memref<512xf32, #tpu.memory_space<vmem>>, vector<16xf32>,
    tpu.vector_store %arg11[%swap3A_125], %broadcast_in_dim3A_124 {strides = array<i32>} : memref<512xf32, #tpu.memory_space<vmem>>, vector<16xf32>,
    %broadcast_in_dim3A_127 = arith.constant 0.000000e+00 : f32
    %broadcast_in_dim3A_128 = vector.broadcast %broadcast_in_dim3A_127 : f32 to vector<16xf32>
    %swap3A_129 = arith.constant 432 : index
    %swap3A_130 = tpu.vector_load %arg11[%swap3A_129] {strides = array<i32>} : memref<512xf32, #tpu.memory_space<vmem>>, vector<16xf32>,
    tpu.vector_store %arg11[%swap3A_129], %broadcast_in_dim3A_128 {strides = array<i32>} : memref<512xf32, #tpu.memory_space<vmem>>, vector<16xf32>,
    %broadcast_in_dim3A_131 = arith.constant 0.000000e+00 : f32
    %broadcast_in_dim3A_132 = vector.broadcast %broadcast_in_dim3A_131 : f32 to vector<16xf32>
    %swap3A_133 = arith.constant 448 : index
    %swap3A_134 = tpu.vector_load %arg11[%swap3A_133] {strides = array<i32>} : memref<512xf32, #tpu.memory_space<vmem>>, vector<16xf32>,
    tpu.vector_store %arg11[%swap3A_133], %broadcast_in_dim3A_132 {strides = array<i32>} : memref<512xf32, #tpu.memory_space<vmem>>, vector<16xf32>,
    %broadcast_in_dim3A_135 = arith.constant 0.000000e+00 : f32
    %broadcast_in_dim3A_136 = vector.broadcast %broadcast_in_dim3A_135 : f32 to vector<16xf32>
    %swap3A_137 = arith.constant 464 : index
    %swap3A_138 = tpu.vector_load %arg11[%swap3A_137] {strides = array<i32>} : memref<512xf32, #tpu.memory_space<vmem>>, vector<16xf32>,
    tpu.vector_store %arg11[%swap3A_137], %broadcast_in_dim3A_136 {strides = array<i32>} : memref<512xf32, #tpu.memory_space<vmem>>, vector<16xf32>,
    %broadcast_in_dim3A_139 = arith.constant 0.000000e+00 : f32
    %broadcast_in_dim3A_140 = vector.broadcast %broadcast_in_dim3A_139 : f32 to vector<16xf32>
    %swap3A_141 = arith.constant 480 : index
    %swap3A_142 = tpu.vector_load %arg11[%swap3A_141] {strides = array<i32>} : memref<512xf32, #tpu.memory_space<vmem>>, vector<16xf32>,
    tpu.vector_store %arg11[%swap3A_141], %broadcast_in_dim3A_140 {strides = array<i32>} : memref<512xf32, #tpu.memory_space<vmem>>, vector<16xf32>,
    %broadcast_in_dim3A_143 = arith.constant 0.000000e+00 : f32
    %broadcast_in_dim3A_144 = vector.broadcast %broadcast_in_dim3A_143 : f32 to vector<16xf32>
    %swap3A_145 = arith.constant 496 : index
    %swap3A_146 = tpu.vector_load %arg11[%swap3A_145] {strides = array<i32>} : memref<512xf32, #tpu.memory_space<vmem>>, vector<16xf32>,
    tpu.vector_store %arg11[%swap3A_145], %broadcast_in_dim3A_144 {strides = array<i32>} : memref<512xf32, #tpu.memory_space<vmem>>, vector<16xf32>,
    %lt3A = arith.constant 31 : i32
    %lt3A_147 = arith.cmpi slt, %add3A, %lt3A : i32
    %convert_element_type3A_148 = arith.extui %lt3A_147 : i1 to i32
    %cond3A_149 = arith.constant 0 : i32
    %cond3A_150 = arith.cmpi ne, %convert_element_type3A_148, %cond3A_149 : i32
    scf.if %cond3A_150 {
      %multiple_of3A_243 = tpu.assume_multiple %add3A_4, 8 : i32
      "tpu.region"() ({
        %run_scoped3A = tpu.sem_alloc : memref<!tpu.dma_semaphore, #tpu.memory_space<semaphore_mem>>
        %dma_start3A = arith.constant 0 : i32
        %dma_start3A_244 = tpu.memref_slice %arg9[%dma_start3A] : memref<32xi32, #tpu.memory_space<vmem>> -> memref<16xi32, #tpu.memory_space<vmem>>
        %dma_start3A_245 = tpu.memref_slice %arg3[%multiple_of3A_243] : memref<160000xi32, #tpu.memory_space<hbm>> -> memref<16xi32, #tpu.memory_space<hbm>>
        %dma_start3A_246 = arith.constant 0 : i32
        %dma_start3A_247 = tpu.memref_slice %arg9[%dma_start3A_246] : memref<32xi32, #tpu.memory_space<vmem>> -> memref<16xi32, #tpu.memory_space<vmem>>
        %dma_start3A_248 = tpu.memref_slice %arg3[%multiple_of3A_243] : memref<160000xi32, #tpu.memory_space<hbm>> -> memref<16xi32, #tpu.memory_space<hbm>>
        tpu.enqueue_dma source(%dma_start3A_248 : memref<16xi32, #tpu.memory_space<hbm>>) target(%dma_start3A_247 : memref<16xi32, #tpu.memory_space<vmem>>) target_semaphore(%run_scoped3A : memref<!tpu.dma_semaphore, #tpu.memory_space<semaphore_mem>>)
        %dma_wait3A = arith.constant 0 : i32
        %dma_wait3A_249 = tpu.memref_slice %arg9[%dma_wait3A] : memref<32xi32, #tpu.memory_space<vmem>> -> memref<16xi32, #tpu.memory_space<vmem>>
        %dma_wait3A_250 = tpu.memref_slice %arg3[%multiple_of3A_243] : memref<160000xi32, #tpu.memory_space<hbm>> -> memref<16xi32, #tpu.memory_space<hbm>>
        %dma_wait3A_251 = arith.constant 0 : i32
        %dma_wait3A_252 = tpu.memref_slice %arg9[%dma_wait3A_251] : memref<32xi32, #tpu.memory_space<vmem>> -> memref<16xi32, #tpu.memory_space<vmem>>
        %dma_wait3A_253 = tpu.memref_slice %arg3[%multiple_of3A_243] : memref<160000xi32, #tpu.memory_space<hbm>> -> memref<16xi32, #tpu.memory_space<hbm>>
        tpu.wait_dma2 semaphore(%run_scoped3A : memref<!tpu.dma_semaphore, #tpu.memory_space<semaphore_mem>>) src(%dma_wait3A_253 : memref<16xi32, #tpu.memory_space<hbm>>) dst(%dma_wait3A_252 : memref<16xi32, #tpu.memory_space<vmem>>)
        tpu.yield
      }) : () -> ()
    } else {
    }
    %get3A_151 = arith.constant 0 : index
    %get3A_152 = tpu.vector_load %arg9[%get3A_151] {strides = array<i32>} : memref<32xi32, #tpu.memory_space<vmem>>, vector<16xi32>,
    %iota3A = tpu.iota {dimensions = array<i32: 0>} : vector<16xi32>
    %ne3A = vector.broadcast %squeeze3A_16 : i32 to vector<16xi32>
    %ne3A_153 = arith.cmpi ne, %get3A_152, %ne3A : vector<16xi32>
    %jit3A_154 = arith.constant 16 : i32
    %broadcast_in_dim3A_155 = vector.broadcast %jit3A_154 : i32 to vector<16xi32>
    %select_n3A_156 = arith.select %ne3A_153, %iota3A, %broadcast_in_dim3A_155 : vector<16xi1>, vector<16xi32>
    %reduce_min3A = arith.constant true
    %reduce_min3A_157 = vector.broadcast %reduce_min3A : i1 to vector<16xi1>
    %reduce_min3A_158 = arith.constant -2147483648 : i32
    %reduce_min3A_159 = vector.broadcast %reduce_min3A_158 : i32 to vector<16xi32>
    %reduce_min3A_160 = arith.xori %select_n3A_156, %reduce_min3A_159 : vector<16xi32>
    %reduce_min3A_161 = tpu.scan <min>, %reduce_min3A_160 masked %reduce_min3A_157 : vector<16xi32>, vector<16xi1> -> vector<16xi32>
    %reduce_min3A_162 = arith.xori %reduce_min3A_161, %reduce_min3A_159 : vector<16xi32>
    %reduce_min3A_163 = vector.extract %reduce_min3A_162[15] : i32 from vector<16xi32>
    %lt3A_164 = arith.constant 16 : i32
    %lt3A_165 = arith.cmpi slt, %reduce_min3A_163, %lt3A_164 : i32
    %add3A_166 = arith.addi %add3A_4, %reduce_min3A_163 : i32
    %sub3A_167 = arith.constant 1 : i32
    %sub3A_168 = arith.subi %add3A_166, %sub3A_167 : i32
    %add3A_169 = arith.constant 16 : i32
    %add3A_170 = arith.addi %add3A_4, %add3A_169 : i32
    %sub3A_171 = arith.constant 1 : i32
    %sub3A_172 = arith.subi %add3A_170, %sub3A_171 : i32
    %select_n3A_173 = arith.select %lt3A_165, %sub3A_168, %sub3A_172 : i32
    %add3A_174 = arith.addi %add3A_4, %reduce_min3A_163 : i32
    %jit3A_175 = arith.constant 160000 : i32
    %select_n3A_176 = arith.select %lt3A_165, %add3A_174, %jit3A_175 : i32
    %jit3A_177 = arith.constant 159999 : i32
    %select_n3A_178 = arith.select %lt3A_147, %select_n3A_173, %jit3A_177 : i32
    %jit3A_179 = arith.constant 160000 : i32
    %select_n3A_180 = arith.select %lt3A_147, %select_n3A_176, %jit3A_179 : i32
    %scan3A = arith.constant 0 : i32
    %scan3A_181 = arith.constant 18 : i32
    %scan3A_182 = arith.addi %scan3A, %scan3A_181 : i32
    %scan3A_183 = arith.constant 1 : i32
    %scan3A_184:2 = scf.for %scan3A_243 = %scan3A to %scan3A_182 step %scan3A_183 iter_args(%scan3A_244 = %select_n3A_178, %scan3A_245 = %select_n3A_180) -> (i32, i32)  : i32 {
      %sub3A_246 = arith.subi %scan3A_245, %scan3A_244 : i32
      %gt3A_247 = arith.constant 1 : i32
      %gt3A_248 = arith.cmpi sgt, %sub3A_246, %gt3A_247 : i32
      %add3A_249 = arith.addi %scan3A_244, %scan3A_245 : i32
      %div3A_250 = arith.constant 2 : i32
      %div3A_251 = arith.divsi %add3A_249, %div3A_250 : i32
      %not3A = arith.constant 7 : i32
      %not3A_252 = arith.constant -1 : i32
      %not3A_253 = arith.xori %not3A, %not3A_252 : i32
      %and3A_254 = arith.andi %div3A_251, %not3A_253 : i32
      %min3A = arith.constant 159984 : i32
      %min3A_255 = arith.minsi %and3A_254, %min3A : i32
      %sub3A_256 = arith.subi %div3A_251, %min3A_255 : i32
      %convert_element_type3A_257 = arith.extui %gt3A_248 : i1 to i32
      %cond3A_258 = arith.constant 0 : i32
      %cond3A_259 = arith.cmpi ne, %convert_element_type3A_257, %cond3A_258 : i32
      scf.if %cond3A_259 {
        %multiple_of3A_271 = tpu.assume_multiple %min3A_255, 8 : i32
        "tpu.region"() ({
          %run_scoped3A = tpu.sem_alloc : memref<!tpu.dma_semaphore, #tpu.memory_space<semaphore_mem>>
          %dma_start3A = arith.constant 0 : i32
          %dma_start3A_272 = tpu.memref_slice %arg9[%dma_start3A] : memref<32xi32, #tpu.memory_space<vmem>> -> memref<16xi32, #tpu.memory_space<vmem>>
          %dma_start3A_273 = tpu.memref_slice %arg3[%multiple_of3A_271] : memref<160000xi32, #tpu.memory_space<hbm>> -> memref<16xi32, #tpu.memory_space<hbm>>
          %dma_start3A_274 = arith.constant 0 : i32
          %dma_start3A_275 = tpu.memref_slice %arg9[%dma_start3A_274] : memref<32xi32, #tpu.memory_space<vmem>> -> memref<16xi32, #tpu.memory_space<vmem>>
          %dma_start3A_276 = tpu.memref_slice %arg3[%multiple_of3A_271] : memref<160000xi32, #tpu.memory_space<hbm>> -> memref<16xi32, #tpu.memory_space<hbm>>
          tpu.enqueue_dma source(%dma_start3A_276 : memref<16xi32, #tpu.memory_space<hbm>>) target(%dma_start3A_275 : memref<16xi32, #tpu.memory_space<vmem>>) target_semaphore(%run_scoped3A : memref<!tpu.dma_semaphore, #tpu.memory_space<semaphore_mem>>)
          %dma_wait3A = arith.constant 0 : i32
          %dma_wait3A_277 = tpu.memref_slice %arg9[%dma_wait3A] : memref<32xi32, #tpu.memory_space<vmem>> -> memref<16xi32, #tpu.memory_space<vmem>>
          %dma_wait3A_278 = tpu.memref_slice %arg3[%multiple_of3A_271] : memref<160000xi32, #tpu.memory_space<hbm>> -> memref<16xi32, #tpu.memory_space<hbm>>
          %dma_wait3A_279 = arith.constant 0 : i32
          %dma_wait3A_280 = tpu.memref_slice %arg9[%dma_wait3A_279] : memref<32xi32, #tpu.memory_space<vmem>> -> memref<16xi32, #tpu.memory_space<vmem>>
          %dma_wait3A_281 = tpu.memref_slice %arg3[%multiple_of3A_271] : memref<160000xi32, #tpu.memory_space<hbm>> -> memref<16xi32, #tpu.memory_space<hbm>>
          tpu.wait_dma2 semaphore(%run_scoped3A : memref<!tpu.dma_semaphore, #tpu.memory_space<semaphore_mem>>) src(%dma_wait3A_281 : memref<16xi32, #tpu.memory_space<hbm>>) dst(%dma_wait3A_280 : memref<16xi32, #tpu.memory_space<vmem>>)
          tpu.yield
        }) : () -> ()
      } else {
      }
      %get3A_260 = arith.index_cast %sub3A_256 : i32 to index
      %get3A_261 = tpu.vector_load %arg9[%get3A_260] {strides = array<i32>} : memref<32xi32, #tpu.memory_space<vmem>>, vector<16xi32>,
      %slice3A_262 = vector.extract_strided_slice %get3A_261 {offsets = [0], sizes = [1], strides = [1]} : vector<16xi32> to vector<1xi32>
      %squeeze3A_263 = vector.extract %slice3A_262[0] : i32 from vector<1xi32>
      %eq3A_264 = arith.cmpi eq, %squeeze3A_263, %squeeze3A_16 : i32
      %and3A_265 = arith.andi %gt3A_248, %eq3A_264 : i1
      %select_n3A_266 = arith.select %and3A_265, %div3A_251, %scan3A_244 : i32
      %not3A_267 = arith.constant true
      %not3A_268 = arith.xori %eq3A_264, %not3A_267 : i1
      %and3A_269 = arith.andi %gt3A_248, %not3A_268 : i1
      %select_n3A_270 = arith.select %and3A_269, %div3A_251, %scan3A_245 : i32
      scf.yield %select_n3A_266, %select_n3A_270 : i32, i32
    }
    %scan3A_185 = arith.constant 18 : i32
    %broadcast_in_dim3A_186 = arith.constant 0.000000e+00 : f32
    %broadcast_in_dim3A_187 = vector.broadcast %broadcast_in_dim3A_186 : f32 to vector<16xf32>
    %broadcast_in_dim3A_188 = arith.constant 0xFF800000 : f32
    %broadcast_in_dim3A_189 = vector.broadcast %broadcast_in_dim3A_188 : f32 to vector<16xf32>
    %jit3A_190 = arith.constant 64 : i32
    %div3A = arith.divsi %mul3A_2, %jit3A_190 : i32
    %sign3A = arith.constant 0 : i32
    %sign3A_191 = arith.cmpi sgt, %mul3A_2, %sign3A : i32
    %sign3A_192 = arith.extui %sign3A_191 : i1 to i32
    %sign3A_193 = arith.constant 0 : i32
    %sign3A_194 = arith.cmpi slt, %mul3A_2, %sign3A_193 : i32
    %sign3A_195 = arith.extui %sign3A_194 : i1 to i32
    %sign3A_196 = arith.subi %sign3A_192, %sign3A_195 : i32
    %sign3A_197 = arith.constant 0 : i32
    %sign3A_198 = arith.cmpi sgt, %jit3A_190, %sign3A_197 : i32
    %sign3A_199 = arith.extui %sign3A_198 : i1 to i32
    %sign3A_200 = arith.constant 0 : i32
    %sign3A_201 = arith.cmpi slt, %jit3A_190, %sign3A_200 : i32
    %sign3A_202 = arith.extui %sign3A_201 : i1 to i32
    %sign3A_203 = arith.subi %sign3A_199, %sign3A_202 : i32
    %ne3A_204 = arith.cmpi ne, %sign3A_196, %sign3A_203 : i32
    %rem3A = arith.remsi %mul3A_2, %jit3A_190 : i32
    %ne3A_205 = arith.constant 0 : i32
    %ne3A_206 = arith.cmpi ne, %rem3A, %ne3A_205 : i32
    %and3A = arith.andi %ne3A_204, %ne3A_206 : i1
    %sub3A_207 = arith.constant 1 : i32
    %sub3A_208 = arith.subi %div3A, %sub3A_207 : i32
    %select_n3A_209 = arith.select %and3A, %sub3A_208, %div3A : i32
    %add3A_210 = arith.constant 64 : i32
    %add3A_211 = arith.addi %scan3A_184#1, %add3A_210 : i32
    %sub3A_212 = arith.constant 1 : i32
    %sub3A_213 = arith.subi %add3A_211, %sub3A_212 : i32
    %div3A_214 = arith.constant 64 : i32
    %div3A_215 = arith.divsi %sub3A_213, %div3A_214 : i32
    %while3A = arith.constant 0 : i32
    %while3A_216 = arith.subi %div3A_215, %select_n3A_209 : i32
    %while3A_217 = arith.addi %select_n3A_209, %while3A_216 : i32
    %while3A_218 = arith.constant 1 : i32
    %while3A_219 = arith.divsi %while3A_216, %while3A_218 : i32
    %while3A_220 = arith.muli %while3A_219, %while3A_218 : i32
    %while3A_221 = arith.addi %select_n3A_209, %while3A_220 : i32
    %while3A_222 = arith.constant 1 : i32
    %while3A_223:34 = scf.for %while3A_243 = %select_n3A_209 to %while3A_221 step %while3A_222 iter_args(%while3A_244 = %squeeze3A, %while3A_245 = %while3A, %while3A_246 = %broadcast_in_dim3A_187, %while3A_247 = %broadcast_in_dim3A_187, %while3A_248 = %broadcast_in_dim3A_187, %while3A_249 = %broadcast_in_dim3A_187, %while3A_250 = %broadcast_in_dim3A_187, %while3A_251 = %broadcast_in_dim3A_187, %while3A_252 = %broadcast_in_dim3A_187, %while3A_253 = %broadcast_in_dim3A_187, %while3A_254 = %broadcast_in_dim3A_187, %while3A_255 = %broadcast_in_dim3A_187, %while3A_256 = %broadcast_in_dim3A_187, %while3A_257 = %broadcast_in_dim3A_187, %while3A_258 = %broadcast_in_dim3A_187, %while3A_259 = %broadcast_in_dim3A_187, %while3A_260 = %broadcast_in_dim3A_187, %while3A_261 = %broadcast_in_dim3A_187, %while3A_262 = %broadcast_in_dim3A_189, %while3A_263 = %broadcast_in_dim3A_189, %while3A_264 = %broadcast_in_dim3A_189, %while3A_265 = %broadcast_in_dim3A_189, %while3A_266 = %broadcast_in_dim3A_189, %while3A_267 = %broadcast_in_dim3A_189, %while3A_268 = %broadcast_in_dim3A_189, %while3A_269 = %broadcast_in_dim3A_189, %while3A_270 = %broadcast_in_dim3A_189, %while3A_271 = %broadcast_in_dim3A_189, %while3A_272 = %broadcast_in_dim3A_189, %while3A_273 = %broadcast_in_dim3A_189, %while3A_274 = %broadcast_in_dim3A_189, %while3A_275 = %broadcast_in_dim3A_189, %while3A_276 = %broadcast_in_dim3A_189, %while3A_277 = %broadcast_in_dim3A_189) -> (i32, i32, vector<16xf32>, vector<16xf32>, vector<16xf32>, vector<16xf32>, vector<16xf32>, vector<16xf32>, vector<16xf32>, vector<16xf32>, vector<16xf32>, vector<16xf32>, vector<16xf32>, vector<16xf32>, vector<16xf32>, vector<16xf32>, vector<16xf32>, vector<16xf32>, vector<16xf32>, vector<16xf32>, vector<16xf32>, vector<16xf32>, vector<16xf32>, vector<16xf32>, vector<16xf32>, vector<16xf32>, vector<16xf32>, vector<16xf32>, vector<16xf32>, vector<16xf32>, vector<16xf32>, vector<16xf32>, vector<16xf32>, vector<16xf32>)  : i32 {
      %mul3A_278 = arith.constant 64 : i32
      %mul3A_279 = arith.muli %while3A_243, %mul3A_278 : i32
      "tpu.region"() ({
        %run_scoped3A = tpu.sem_alloc : memref<!tpu.dma_semaphore, #tpu.memory_space<semaphore_mem>>
        %dma_start3A = arith.constant 0 : i32
        %dma_start3A_287 = tpu.memref_slice %arg2[%mul3A_279, %dma_start3A] : memref<160000x256xf32, #tpu.memory_space<hbm>> -> memref<64x256xf32, #tpu.memory_space<hbm>>
        %dma_start3A_288 = arith.constant 0 : i32
        %dma_start3A_289 = tpu.memref_slice %arg2[%mul3A_279, %dma_start3A_288] : memref<160000x256xf32, #tpu.memory_space<hbm>> -> memref<64x256xf32, #tpu.memory_space<hbm>>
        tpu.enqueue_dma source(%dma_start3A_289 : memref<64x256xf32, #tpu.memory_space<hbm>>) target(%arg5 : memref<64x256xf32, #tpu.memory_space<vmem>>) target_semaphore(%run_scoped3A : memref<!tpu.dma_semaphore, #tpu.memory_space<semaphore_mem>>)
        %dma_wait3A = arith.constant 0 : i32
        %dma_wait3A_290 = tpu.memref_slice %arg2[%mul3A_279, %dma_wait3A] : memref<160000x256xf32, #tpu.memory_space<hbm>> -> memref<64x256xf32, #tpu.memory_space<hbm>>
        %dma_wait3A_291 = arith.constant 0 : i32
        %dma_wait3A_292 = tpu.memref_slice %arg2[%mul3A_279, %dma_wait3A_291] : memref<160000x256xf32, #tpu.memory_space<hbm>> -> memref<64x256xf32, #tpu.memory_space<hbm>>
        tpu.wait_dma2 semaphore(%run_scoped3A : memref<!tpu.dma_semaphore, #tpu.memory_space<semaphore_mem>>) src(%dma_wait3A_292 : memref<64x256xf32, #tpu.memory_space<hbm>>) dst(%arg5 : memref<64x256xf32, #tpu.memory_space<vmem>>)
        tpu.yield
      }) : () -> ()
      %multiple_of3A_280 = tpu.assume_multiple %mul3A_279, 8 : i32
      "tpu.region"() ({
        %run_scoped3A = tpu.sem_alloc : memref<!tpu.dma_semaphore, #tpu.memory_space<semaphore_mem>>
        %dma_start3A = arith.constant 0 : i32
        %dma_start3A_287 = tpu.memref_slice %arg6[%dma_start3A] : memref<80xi32, #tpu.memory_space<vmem>> -> memref<64xi32, #tpu.memory_space<vmem>>
        %dma_start3A_288 = tpu.memref_slice %arg3[%multiple_of3A_280] : memref<160000xi32, #tpu.memory_space<hbm>> -> memref<64xi32, #tpu.memory_space<hbm>>
        %dma_start3A_289 = arith.constant 0 : i32
        %dma_start3A_290 = tpu.memref_slice %arg6[%dma_start3A_289] : memref<80xi32, #tpu.memory_space<vmem>> -> memref<64xi32, #tpu.memory_space<vmem>>
        %dma_start3A_291 = tpu.memref_slice %arg3[%multiple_of3A_280] : memref<160000xi32, #tpu.memory_space<hbm>> -> memref<64xi32, #tpu.memory_space<hbm>>
        tpu.enqueue_dma source(%dma_start3A_291 : memref<64xi32, #tpu.memory_space<hbm>>) target(%dma_start3A_290 : memref<64xi32, #tpu.memory_space<vmem>>) target_semaphore(%run_scoped3A : memref<!tpu.dma_semaphore, #tpu.memory_space<semaphore_mem>>)
        %dma_wait3A = arith.constant 0 : i32
        %dma_wait3A_292 = tpu.memref_slice %arg6[%dma_wait3A] : memref<80xi32, #tpu.memory_space<vmem>> -> memref<64xi32, #tpu.memory_space<vmem>>
        %dma_wait3A_293 = tpu.memref_slice %arg3[%multiple_of3A_280] : memref<160000xi32, #tpu.memory_space<hbm>> -> memref<64xi32, #tpu.memory_space<hbm>>
        %dma_wait3A_294 = arith.constant 0 : i32
        %dma_wait3A_295 = tpu.memref_slice %arg6[%dma_wait3A_294] : memref<80xi32, #tpu.memory_space<vmem>> -> memref<64xi32, #tpu.memory_space<vmem>>
        %dma_wait3A_296 = tpu.memref_slice %arg3[%multiple_of3A_280] : memref<160000xi32, #tpu.memory_space<hbm>> -> memref<64xi32, #tpu.memory_space<hbm>>
        tpu.wait_dma2 semaphore(%run_scoped3A : memref<!tpu.dma_semaphore, #tpu.memory_space<semaphore_mem>>) src(%dma_wait3A_296 : memref<64xi32, #tpu.memory_space<hbm>>) dst(%dma_wait3A_295 : memref<64xi32, #tpu.memory_space<vmem>>)
        tpu.yield
      }) : () -> ()
      %scan3A_281 = arith.constant 0 : i32
      %scan3A_282 = arith.constant 64 : i32
      %scan3A_283 = arith.addi %scan3A_281, %scan3A_282 : i32
      %scan3A_284 = arith.constant 1 : i32
      %scan3A_285:34 = scf.for %scan3A_287 = %scan3A_281 to %scan3A_283 step %scan3A_284 iter_args(%scan3A_288 = %while3A_244, %scan3A_289 = %while3A_245, %scan3A_290 = %while3A_246, %scan3A_291 = %while3A_247, %scan3A_292 = %while3A_248, %scan3A_293 = %while3A_249, %scan3A_294 = %while3A_250, %scan3A_295 = %while3A_251, %scan3A_296 = %while3A_252, %scan3A_297 = %while3A_253, %scan3A_298 = %while3A_254, %scan3A_299 = %while3A_255, %scan3A_300 = %while3A_256, %scan3A_301 = %while3A_257, %scan3A_302 = %while3A_258, %scan3A_303 = %while3A_259, %scan3A_304 = %while3A_260, %scan3A_305 = %while3A_261, %scan3A_306 = %while3A_262, %scan3A_307 = %while3A_263, %scan3A_308 = %while3A_264, %scan3A_309 = %while3A_265, %scan3A_310 = %while3A_266, %scan3A_311 = %while3A_267, %scan3A_312 = %while3A_268, %scan3A_313 = %while3A_269, %scan3A_314 = %while3A_270, %scan3A_315 = %while3A_271, %scan3A_316 = %while3A_272, %scan3A_317 = %while3A_273, %scan3A_318 = %while3A_274, %scan3A_319 = %while3A_275, %scan3A_320 = %while3A_276, %scan3A_321 = %while3A_277) -> (i32, i32, vector<16xf32>, vector<16xf32>, vector<16xf32>, vector<16xf32>, vector<16xf32>, vector<16xf32>, vector<16xf32>, vector<16xf32>, vector<16xf32>, vector<16xf32>, vector<16xf32>, vector<16xf32>, vector<16xf32>, vector<16xf32>, vector<16xf32>, vector<16xf32>, vector<16xf32>, vector<16xf32>, vector<16xf32>, vector<16xf32>, vector<16xf32>, vector<16xf32>, vector<16xf32>, vector<16xf32>, vector<16xf32>, vector<16xf32>, vector<16xf32>, vector<16xf32>, vector<16xf32>, vector<16xf32>, vector<16xf32>, vector<16xf32>)  : i32 {
        %add3A_322 = arith.addi %mul3A_279, %scan3A_287 : i32
        %get3A_323 = arith.index_cast %scan3A_287 : i32 to index
        %get3A_324 = tpu.vector_load %arg6[%get3A_323] {strides = array<i32>} : memref<80xi32, #tpu.memory_space<vmem>>, vector<16xi32>,
        %slice3A_325 = vector.extract_strided_slice %get3A_324 {offsets = [0], sizes = [1], strides = [1]} : vector<16xi32> to vector<1xi32>
        %squeeze3A_326 = vector.extract %slice3A_325[0] : i32 from vector<1xi32>
        %lt3A_327 = arith.cmpi slt, %add3A_322, %scan3A_184#1 : i32
        %convert_element_type3A_328 = arith.extui %lt3A_327 : i1 to i32
        %cond3A_329 = arith.constant 0 : i32
        %cond3A_330 = arith.cmpi ne, %convert_element_type3A_328, %cond3A_329 : i32
        %cond3A_331:34 = scf.if %cond3A_330 -> (i32, i32, vector<16xf32>, vector<16xf32>, vector<16xf32>, vector<16xf32>, vector<16xf32>, vector<16xf32>, vector<16xf32>, vector<16xf32>, vector<16xf32>, vector<16xf32>, vector<16xf32>, vector<16xf32>, vector<16xf32>, vector<16xf32>, vector<16xf32>, vector<16xf32>, vector<16xf32>, vector<16xf32>, vector<16xf32>, vector<16xf32>, vector<16xf32>, vector<16xf32>, vector<16xf32>, vector<16xf32>, vector<16xf32>, vector<16xf32>, vector<16xf32>, vector<16xf32>, vector<16xf32>, vector<16xf32>, vector<16xf32>, vector<16xf32>) {
          %ne3A_332 = arith.cmpi ne, %squeeze3A_326, %scan3A_288 : i32
          %convert_element_type3A_333 = arith.extui %ne3A_332 : i1 to i32
          %cond3A_334 = arith.constant 0 : i32
          %cond3A_335 = arith.cmpi ne, %convert_element_type3A_333, %cond3A_334 : i32
          %cond3A_336:34 = scf.if %cond3A_335 -> (i32, i32, vector<16xf32>, vector<16xf32>, vector<16xf32>, vector<16xf32>, vector<16xf32>, vector<16xf32>, vector<16xf32>, vector<16xf32>, vector<16xf32>, vector<16xf32>, vector<16xf32>, vector<16xf32>, vector<16xf32>, vector<16xf32>, vector<16xf32>, vector<16xf32>, vector<16xf32>, vector<16xf32>, vector<16xf32>, vector<16xf32>, vector<16xf32>, vector<16xf32>, vector<16xf32>, vector<16xf32>, vector<16xf32>, vector<16xf32>, vector<16xf32>, vector<16xf32>, vector<16xf32>, vector<16xf32>, vector<16xf32>, vector<16xf32>) {
            %ge3A_467 = arith.cmpi sge, %scan3A_288, %add3A_18 : i32
            %convert_element_type3A_468 = arith.extui %ge3A_467 : i1 to i32
            %cond3A_469 = arith.constant 0 : i32
            %cond3A_470 = arith.cmpi ne, %convert_element_type3A_468, %cond3A_469 : i32
            scf.if %cond3A_470 {
              %convert_element_type3A_485 = arith.sitofp %scan3A_289 : i32 to f32
              %broadcast_in_dim3A_486 = vector.broadcast %convert_element_type3A_485 : f32 to vector<16xf32>
              %div3A_487 = arith.constant 1.000000e+00 : f32
              %div3A_488 = vector.broadcast %div3A_487 : f32 to vector<16xf32>
              %div3A_489 = arith.divf %div3A_488, %broadcast_in_dim3A_486 : vector<16xf32>
              %mul3A_490 = arith.mulf %scan3A_290, %div3A_489 : vector<16xf32>
              %swap3A_491 = arith.constant 0 : index
              %swap3A_492 = tpu.vector_load %arg10[%swap3A_491] {strides = array<i32>} : memref<512xf32, #tpu.memory_space<vmem>>, vector<16xf32>,
              tpu.vector_store %arg10[%swap3A_491], %mul3A_490 {strides = array<i32>} : memref<512xf32, #tpu.memory_space<vmem>>, vector<16xf32>,
              %swap3A_493 = arith.constant 256 : index
              %swap3A_494 = tpu.vector_load %arg10[%swap3A_493] {strides = array<i32>} : memref<512xf32, #tpu.memory_space<vmem>>, vector<16xf32>,
              tpu.vector_store %arg10[%swap3A_493], %scan3A_306 {strides = array<i32>} : memref<512xf32, #tpu.memory_space<vmem>>, vector<16xf32>,
              %mul3A_495 = arith.mulf %scan3A_291, %div3A_489 : vector<16xf32>
              %swap3A_496 = arith.constant 16 : index
              %swap3A_497 = tpu.vector_load %arg10[%swap3A_496] {strides = array<i32>} : memref<512xf32, #tpu.memory_space<vmem>>, vector<16xf32>,
              tpu.vector_store %arg10[%swap3A_496], %mul3A_495 {strides = array<i32>} : memref<512xf32, #tpu.memory_space<vmem>>, vector<16xf32>,
              %swap3A_498 = arith.constant 272 : index
              %swap3A_499 = tpu.vector_load %arg10[%swap3A_498] {strides = array<i32>} : memref<512xf32, #tpu.memory_space<vmem>>, vector<16xf32>,
              tpu.vector_store %arg10[%swap3A_498], %scan3A_307 {strides = array<i32>} : memref<512xf32, #tpu.memory_space<vmem>>, vector<16xf32>,
              %mul3A_500 = arith.mulf %scan3A_292, %div3A_489 : vector<16xf32>
              %swap3A_501 = arith.constant 32 : index
              %swap3A_502 = tpu.vector_load %arg10[%swap3A_501] {strides = array<i32>} : memref<512xf32, #tpu.memory_space<vmem>>, vector<16xf32>,
              tpu.vector_store %arg10[%swap3A_501], %mul3A_500 {strides = array<i32>} : memref<512xf32, #tpu.memory_space<vmem>>, vector<16xf32>,
              %swap3A_503 = arith.constant 288 : index
              %swap3A_504 = tpu.vector_load %arg10[%swap3A_503] {strides = array<i32>} : memref<512xf32, #tpu.memory_space<vmem>>, vector<16xf32>,
              tpu.vector_store %arg10[%swap3A_503], %scan3A_308 {strides = array<i32>} : memref<512xf32, #tpu.memory_space<vmem>>, vector<16xf32>,
              %mul3A_505 = arith.mulf %scan3A_293, %div3A_489 : vector<16xf32>
              %swap3A_506 = arith.constant 48 : index
              %swap3A_507 = tpu.vector_load %arg10[%swap3A_506] {strides = array<i32>} : memref<512xf32, #tpu.memory_space<vmem>>, vector<16xf32>,
              tpu.vector_store %arg10[%swap3A_506], %mul3A_505 {strides = array<i32>} : memref<512xf32, #tpu.memory_space<vmem>>, vector<16xf32>,
              %swap3A_508 = arith.constant 304 : index
              %swap3A_509 = tpu.vector_load %arg10[%swap3A_508] {strides = array<i32>} : memref<512xf32, #tpu.memory_space<vmem>>, vector<16xf32>,
              tpu.vector_store %arg10[%swap3A_508], %scan3A_309 {strides = array<i32>} : memref<512xf32, #tpu.memory_space<vmem>>, vector<16xf32>,
              %mul3A_510 = arith.mulf %scan3A_294, %div3A_489 : vector<16xf32>
              %swap3A_511 = arith.constant 64 : index
              %swap3A_512 = tpu.vector_load %arg10[%swap3A_511] {strides = array<i32>} : memref<512xf32, #tpu.memory_space<vmem>>, vector<16xf32>,
              tpu.vector_store %arg10[%swap3A_511], %mul3A_510 {strides = array<i32>} : memref<512xf32, #tpu.memory_space<vmem>>, vector<16xf32>,
              %swap3A_513 = arith.constant 320 : index
              %swap3A_514 = tpu.vector_load %arg10[%swap3A_513] {strides = array<i32>} : memref<512xf32, #tpu.memory_space<vmem>>, vector<16xf32>,
              tpu.vector_store %arg10[%swap3A_513], %scan3A_310 {strides = array<i32>} : memref<512xf32, #tpu.memory_space<vmem>>, vector<16xf32>,
              %mul3A_515 = arith.mulf %scan3A_295, %div3A_489 : vector<16xf32>
              %swap3A_516 = arith.constant 80 : index
              %swap3A_517 = tpu.vector_load %arg10[%swap3A_516] {strides = array<i32>} : memref<512xf32, #tpu.memory_space<vmem>>, vector<16xf32>,
              tpu.vector_store %arg10[%swap3A_516], %mul3A_515 {strides = array<i32>} : memref<512xf32, #tpu.memory_space<vmem>>, vector<16xf32>,
              %swap3A_518 = arith.constant 336 : index
              %swap3A_519 = tpu.vector_load %arg10[%swap3A_518] {strides = array<i32>} : memref<512xf32, #tpu.memory_space<vmem>>, vector<16xf32>,
              tpu.vector_store %arg10[%swap3A_518], %scan3A_311 {strides = array<i32>} : memref<512xf32, #tpu.memory_space<vmem>>, vector<16xf32>,
              %mul3A_520 = arith.mulf %scan3A_296, %div3A_489 : vector<16xf32>
              %swap3A_521 = arith.constant 96 : index
              %swap3A_522 = tpu.vector_load %arg10[%swap3A_521] {strides = array<i32>} : memref<512xf32, #tpu.memory_space<vmem>>, vector<16xf32>,
              tpu.vector_store %arg10[%swap3A_521], %mul3A_520 {strides = array<i32>} : memref<512xf32, #tpu.memory_space<vmem>>, vector<16xf32>,
              %swap3A_523 = arith.constant 352 : index
              %swap3A_524 = tpu.vector_load %arg10[%swap3A_523] {strides = array<i32>} : memref<512xf32, #tpu.memory_space<vmem>>, vector<16xf32>,
              tpu.vector_store %arg10[%swap3A_523], %scan3A_312 {strides = array<i32>} : memref<512xf32, #tpu.memory_space<vmem>>, vector<16xf32>,
              %mul3A_525 = arith.mulf %scan3A_297, %div3A_489 : vector<16xf32>
              %swap3A_526 = arith.constant 112 : index
              %swap3A_527 = tpu.vector_load %arg10[%swap3A_526] {strides = array<i32>} : memref<512xf32, #tpu.memory_space<vmem>>, vector<16xf32>,
              tpu.vector_store %arg10[%swap3A_526], %mul3A_525 {strides = array<i32>} : memref<512xf32, #tpu.memory_space<vmem>>, vector<16xf32>,
              %swap3A_528 = arith.constant 368 : index
              %swap3A_529 = tpu.vector_load %arg10[%swap3A_528] {strides = array<i32>} : memref<512xf32, #tpu.memory_space<vmem>>, vector<16xf32>,
              tpu.vector_store %arg10[%swap3A_528], %scan3A_313 {strides = array<i32>} : memref<512xf32, #tpu.memory_space<vmem>>, vector<16xf32>,
              %mul3A_530 = arith.mulf %scan3A_298, %div3A_489 : vector<16xf32>
              %swap3A_531 = arith.constant 128 : index
              %swap3A_532 = tpu.vector_load %arg10[%swap3A_531] {strides = array<i32>} : memref<512xf32, #tpu.memory_space<vmem>>, vector<16xf32>,
              tpu.vector_store %arg10[%swap3A_531], %mul3A_530 {strides = array<i32>} : memref<512xf32, #tpu.memory_space<vmem>>, vector<16xf32>,
              %swap3A_533 = arith.constant 384 : index
              %swap3A_534 = tpu.vector_load %arg10[%swap3A_533] {strides = array<i32>} : memref<512xf32, #tpu.memory_space<vmem>>, vector<16xf32>,
              tpu.vector_store %arg10[%swap3A_533], %scan3A_314 {strides = array<i32>} : memref<512xf32, #tpu.memory_space<vmem>>, vector<16xf32>,
              %mul3A_535 = arith.mulf %scan3A_299, %div3A_489 : vector<16xf32>
              %swap3A_536 = arith.constant 144 : index
              %swap3A_537 = tpu.vector_load %arg10[%swap3A_536] {strides = array<i32>} : memref<512xf32, #tpu.memory_space<vmem>>, vector<16xf32>,
              tpu.vector_store %arg10[%swap3A_536], %mul3A_535 {strides = array<i32>} : memref<512xf32, #tpu.memory_space<vmem>>, vector<16xf32>,
              %swap3A_538 = arith.constant 400 : index
              %swap3A_539 = tpu.vector_load %arg10[%swap3A_538] {strides = array<i32>} : memref<512xf32, #tpu.memory_space<vmem>>, vector<16xf32>,
              tpu.vector_store %arg10[%swap3A_538], %scan3A_315 {strides = array<i32>} : memref<512xf32, #tpu.memory_space<vmem>>, vector<16xf32>,
              %mul3A_540 = arith.mulf %scan3A_300, %div3A_489 : vector<16xf32>
              %swap3A_541 = arith.constant 160 : index
              %swap3A_542 = tpu.vector_load %arg10[%swap3A_541] {strides = array<i32>} : memref<512xf32, #tpu.memory_space<vmem>>, vector<16xf32>,
              tpu.vector_store %arg10[%swap3A_541], %mul3A_540 {strides = array<i32>} : memref<512xf32, #tpu.memory_space<vmem>>, vector<16xf32>,
              %swap3A_543 = arith.constant 416 : index
              %swap3A_544 = tpu.vector_load %arg10[%swap3A_543] {strides = array<i32>} : memref<512xf32, #tpu.memory_space<vmem>>, vector<16xf32>,
              tpu.vector_store %arg10[%swap3A_543], %scan3A_316 {strides = array<i32>} : memref<512xf32, #tpu.memory_space<vmem>>, vector<16xf32>,
              %mul3A_545 = arith.mulf %scan3A_301, %div3A_489 : vector<16xf32>
              %swap3A_546 = arith.constant 176 : index
              %swap3A_547 = tpu.vector_load %arg10[%swap3A_546] {strides = array<i32>} : memref<512xf32, #tpu.memory_space<vmem>>, vector<16xf32>,
              tpu.vector_store %arg10[%swap3A_546], %mul3A_545 {strides = array<i32>} : memref<512xf32, #tpu.memory_space<vmem>>, vector<16xf32>,
              %swap3A_548 = arith.constant 432 : index
              %swap3A_549 = tpu.vector_load %arg10[%swap3A_548] {strides = array<i32>} : memref<512xf32, #tpu.memory_space<vmem>>, vector<16xf32>,
              tpu.vector_store %arg10[%swap3A_548], %scan3A_317 {strides = array<i32>} : memref<512xf32, #tpu.memory_space<vmem>>, vector<16xf32>,
              %mul3A_550 = arith.mulf %scan3A_302, %div3A_489 : vector<16xf32>
              %swap3A_551 = arith.constant 192 : index
              %swap3A_552 = tpu.vector_load %arg10[%swap3A_551] {strides = array<i32>} : memref<512xf32, #tpu.memory_space<vmem>>, vector<16xf32>,
              tpu.vector_store %arg10[%swap3A_551], %mul3A_550 {strides = array<i32>} : memref<512xf32, #tpu.memory_space<vmem>>, vector<16xf32>,
              %swap3A_553 = arith.constant 448 : index
              %swap3A_554 = tpu.vector_load %arg10[%swap3A_553] {strides = array<i32>} : memref<512xf32, #tpu.memory_space<vmem>>, vector<16xf32>,
              tpu.vector_store %arg10[%swap3A_553], %scan3A_318 {strides = array<i32>} : memref<512xf32, #tpu.memory_space<vmem>>, vector<16xf32>,
              %mul3A_555 = arith.mulf %scan3A_303, %div3A_489 : vector<16xf32>
              %swap3A_556 = arith.constant 208 : index
              %swap3A_557 = tpu.vector_load %arg10[%swap3A_556] {strides = array<i32>} : memref<512xf32, #tpu.memory_space<vmem>>, vector<16xf32>,
              tpu.vector_store %arg10[%swap3A_556], %mul3A_555 {strides = array<i32>} : memref<512xf32, #tpu.memory_space<vmem>>, vector<16xf32>,
              %swap3A_558 = arith.constant 464 : index
              %swap3A_559 = tpu.vector_load %arg10[%swap3A_558] {strides = array<i32>} : memref<512xf32, #tpu.memory_space<vmem>>, vector<16xf32>,
              tpu.vector_store %arg10[%swap3A_558], %scan3A_319 {strides = array<i32>} : memref<512xf32, #tpu.memory_space<vmem>>, vector<16xf32>,
              %mul3A_560 = arith.mulf %scan3A_304, %div3A_489 : vector<16xf32>
              %swap3A_561 = arith.constant 224 : index
              %swap3A_562 = tpu.vector_load %arg10[%swap3A_561] {strides = array<i32>} : memref<512xf32, #tpu.memory_space<vmem>>, vector<16xf32>,
              tpu.vector_store %arg10[%swap3A_561], %mul3A_560 {strides = array<i32>} : memref<512xf32, #tpu.memory_space<vmem>>, vector<16xf32>,
              %swap3A_563 = arith.constant 480 : index
              %swap3A_564 = tpu.vector_load %arg10[%swap3A_563] {strides = array<i32>} : memref<512xf32, #tpu.memory_space<vmem>>, vector<16xf32>,
              tpu.vector_store %arg10[%swap3A_563], %scan3A_320 {strides = array<i32>} : memref<512xf32, #tpu.memory_space<vmem>>, vector<16xf32>,
              %mul3A_565 = arith.mulf %scan3A_305, %div3A_489 : vector<16xf32>
              %swap3A_566 = arith.constant 240 : index
              %swap3A_567 = tpu.vector_load %arg10[%swap3A_566] {strides = array<i32>} : memref<512xf32, #tpu.memory_space<vmem>>, vector<16xf32>,
              tpu.vector_store %arg10[%swap3A_566], %mul3A_565 {strides = array<i32>} : memref<512xf32, #tpu.memory_space<vmem>>, vector<16xf32>,
              %swap3A_568 = arith.constant 496 : index
              %swap3A_569 = tpu.vector_load %arg10[%swap3A_568] {strides = array<i32>} : memref<512xf32, #tpu.memory_space<vmem>>, vector<16xf32>,
              tpu.vector_store %arg10[%swap3A_568], %scan3A_321 {strides = array<i32>} : memref<512xf32, #tpu.memory_space<vmem>>, vector<16xf32>,
              "tpu.region"() ({
                %run_scoped3A = tpu.sem_alloc : memref<!tpu.dma_semaphore, #tpu.memory_space<semaphore_mem>>
                %dma_start3A = arith.constant 0 : i32
                %dma_start3A_570 = tpu.memref_slice %arg4[%scan3A_288, %dma_start3A] : memref<10000x512xf32, #tpu.memory_space<hbm>> -> memref<1x512xf32, #tpu.memory_space<hbm>>
                %dma_start3A_571 = tpu.memref_squeeze %dma_start3A_570 : memref<1x512xf32, #tpu.memory_space<hbm>> -> memref<512xf32, #tpu.memory_space<hbm>>
                %dma_start3A_572 = arith.constant 0 : i32
                %dma_start3A_573 = tpu.memref_slice %arg4[%scan3A_288, %dma_start3A_572] : memref<10000x512xf32, #tpu.memory_space<hbm>> -> memref<1x512xf32, #tpu.memory_space<hbm>>
                %dma_start3A_574 = tpu.memref_squeeze %dma_start3A_573 : memref<1x512xf32, #tpu.memory_space<hbm>> -> memref<512xf32, #tpu.memory_space<hbm>>
                tpu.enqueue_dma source(%arg10 : memref<512xf32, #tpu.memory_space<vmem>>) target(%dma_start3A_574 : memref<512xf32, #tpu.memory_space<hbm>>) target_semaphore(%run_scoped3A : memref<!tpu.dma_semaphore, #tpu.memory_space<semaphore_mem>>)
                %dma_wait3A = arith.constant 0 : i32
                %dma_wait3A_575 = tpu.memref_slice %arg4[%scan3A_288, %dma_wait3A] : memref<10000x512xf32, #tpu.memory_space<hbm>> -> memref<1x512xf32, #tpu.memory_space<hbm>>
                %dma_wait3A_576 = tpu.memref_squeeze %dma_wait3A_575 : memref<1x512xf32, #tpu.memory_space<hbm>> -> memref<512xf32, #tpu.memory_space<hbm>>
                %dma_wait3A_577 = arith.constant 0 : i32
                %dma_wait3A_578 = tpu.memref_slice %arg4[%scan3A_288, %dma_wait3A_577] : memref<10000x512xf32, #tpu.memory_space<hbm>> -> memref<1x512xf32, #tpu.memory_space<hbm>>
                %dma_wait3A_579 = tpu.memref_squeeze %dma_wait3A_578 : memref<1x512xf32, #tpu.memory_space<hbm>> -> memref<512xf32, #tpu.memory_space<hbm>>
                tpu.wait_dma2 semaphore(%run_scoped3A : memref<!tpu.dma_semaphore, #tpu.memory_space<semaphore_mem>>) src(%arg10 : memref<512xf32, #tpu.memory_space<vmem>>) dst(%dma_wait3A_579 : memref<512xf32, #tpu.memory_space<hbm>>)
                tpu.yield
              }) : () -> ()
            } else {
            }
            %add3A_471 = arith.constant 1 : i32
            %add3A_472 = arith.addi %scan3A_288, %add3A_471 : i32
            %max3A_473 = arith.maxsi %add3A_472, %add3A_18 : i32
            %max3A_474 = arith.maxsi %max3A_473, %squeeze3A_326 : i32
            %while3A_475 = arith.constant 0 : i32
            %while3A_476 = arith.subi %max3A_474, %max3A_473 : i32
            %while3A_477 = arith.addi %max3A_473, %while3A_476 : i32
            %while3A_478 = arith.constant 1 : i32
            %while3A_479 = arith.divsi %while3A_476, %while3A_478 : i32
            %while3A_480 = arith.muli %while3A_479, %while3A_478 : i32
            %while3A_481 = arith.addi %max3A_473, %while3A_480 : i32
            %while3A_482 = arith.constant 1 : i32
            scf.for %while3A_485 = %max3A_473 to %while3A_481 step %while3A_482  : i32 {
              "tpu.region"() ({
                %run_scoped3A = tpu.sem_alloc : memref<!tpu.dma_semaphore, #tpu.memory_space<semaphore_mem>>
                %dma_start3A = arith.constant 0 : i32
                %dma_start3A_486 = tpu.memref_slice %arg4[%while3A_485, %dma_start3A] : memref<10000x512xf32, #tpu.memory_space<hbm>> -> memref<1x512xf32, #tpu.memory_space<hbm>>
                %dma_start3A_487 = tpu.memref_squeeze %dma_start3A_486 : memref<1x512xf32, #tpu.memory_space<hbm>> -> memref<512xf32, #tpu.memory_space<hbm>>
                %dma_start3A_488 = arith.constant 0 : i32
                %dma_start3A_489 = tpu.memref_slice %arg4[%while3A_485, %dma_start3A_488] : memref<10000x512xf32, #tpu.memory_space<hbm>> -> memref<1x512xf32, #tpu.memory_space<hbm>>
                %dma_start3A_490 = tpu.memref_squeeze %dma_start3A_489 : memref<1x512xf32, #tpu.memory_space<hbm>> -> memref<512xf32, #tpu.memory_space<hbm>>
                tpu.enqueue_dma source(%arg11 : memref<512xf32, #tpu.memory_space<vmem>>) target(%dma_start3A_490 : memref<512xf32, #tpu.memory_space<hbm>>) target_semaphore(%run_scoped3A : memref<!tpu.dma_semaphore, #tpu.memory_space<semaphore_mem>>)
                %dma_wait3A = arith.constant 0 : i32
                %dma_wait3A_491 = tpu.memref_slice %arg4[%while3A_485, %dma_wait3A] : memref<10000x512xf32, #tpu.memory_space<hbm>> -> memref<1x512xf32, #tpu.memory_space<hbm>>
                %dma_wait3A_492 = tpu.memref_squeeze %dma_wait3A_491 : memref<1x512xf32, #tpu.memory_space<hbm>> -> memref<512xf32, #tpu.memory_space<hbm>>
                %dma_wait3A_493 = arith.constant 0 : i32
                %dma_wait3A_494 = tpu.memref_slice %arg4[%while3A_485, %dma_wait3A_493] : memref<10000x512xf32, #tpu.memory_space<hbm>> -> memref<1x512xf32, #tpu.memory_space<hbm>>
                %dma_wait3A_495 = tpu.memref_squeeze %dma_wait3A_494 : memref<1x512xf32, #tpu.memory_space<hbm>> -> memref<512xf32, #tpu.memory_space<hbm>>
                tpu.wait_dma2 semaphore(%run_scoped3A : memref<!tpu.dma_semaphore, #tpu.memory_space<semaphore_mem>>) src(%arg11 : memref<512xf32, #tpu.memory_space<vmem>>) dst(%dma_wait3A_495 : memref<512xf32, #tpu.memory_space<hbm>>)
                tpu.yield
              }) : () -> ()
            }
            %while3A_483 = arith.constant 1 : i32
            scf.for %while3A_485 = %while3A_481 to %while3A_477 step %while3A_483  : i32 {
              "tpu.region"() ({
                %run_scoped3A = tpu.sem_alloc : memref<!tpu.dma_semaphore, #tpu.memory_space<semaphore_mem>>
                %dma_start3A = arith.constant 0 : i32
                %dma_start3A_486 = tpu.memref_slice %arg4[%while3A_485, %dma_start3A] : memref<10000x512xf32, #tpu.memory_space<hbm>> -> memref<1x512xf32, #tpu.memory_space<hbm>>
                %dma_start3A_487 = tpu.memref_squeeze %dma_start3A_486 : memref<1x512xf32, #tpu.memory_space<hbm>> -> memref<512xf32, #tpu.memory_space<hbm>>
                %dma_start3A_488 = arith.constant 0 : i32
                %dma_start3A_489 = tpu.memref_slice %arg4[%while3A_485, %dma_start3A_488] : memref<10000x512xf32, #tpu.memory_space<hbm>> -> memref<1x512xf32, #tpu.memory_space<hbm>>
                %dma_start3A_490 = tpu.memref_squeeze %dma_start3A_489 : memref<1x512xf32, #tpu.memory_space<hbm>> -> memref<512xf32, #tpu.memory_space<hbm>>
                tpu.enqueue_dma source(%arg11 : memref<512xf32, #tpu.memory_space<vmem>>) target(%dma_start3A_490 : memref<512xf32, #tpu.memory_space<hbm>>) target_semaphore(%run_scoped3A : memref<!tpu.dma_semaphore, #tpu.memory_space<semaphore_mem>>)
                %dma_wait3A = arith.constant 0 : i32
                %dma_wait3A_491 = tpu.memref_slice %arg4[%while3A_485, %dma_wait3A] : memref<10000x512xf32, #tpu.memory_space<hbm>> -> memref<1x512xf32, #tpu.memory_space<hbm>>
                %dma_wait3A_492 = tpu.memref_squeeze %dma_wait3A_491 : memref<1x512xf32, #tpu.memory_space<hbm>> -> memref<512xf32, #tpu.memory_space<hbm>>
                %dma_wait3A_493 = arith.constant 0 : i32
                %dma_wait3A_494 = tpu.memref_slice %arg4[%while3A_485, %dma_wait3A_493] : memref<10000x512xf32, #tpu.memory_space<hbm>> -> memref<1x512xf32, #tpu.memory_space<hbm>>
                %dma_wait3A_495 = tpu.memref_squeeze %dma_wait3A_494 : memref<1x512xf32, #tpu.memory_space<hbm>> -> memref<512xf32, #tpu.memory_space<hbm>>
                tpu.wait_dma2 semaphore(%run_scoped3A : memref<!tpu.dma_semaphore, #tpu.memory_space<semaphore_mem>>) src(%arg11 : memref<512xf32, #tpu.memory_space<vmem>>) dst(%dma_wait3A_495 : memref<512xf32, #tpu.memory_space<hbm>>)
                tpu.yield
              }) : () -> ()
            }
            %cond3A_484 = arith.constant 0 : i32
            scf.yield %squeeze3A_326, %cond3A_484, %broadcast_in_dim3A_187, %broadcast_in_dim3A_187, %broadcast_in_dim3A_187, %broadcast_in_dim3A_187, %broadcast_in_dim3A_187, %broadcast_in_dim3A_187, %broadcast_in_dim3A_187, %broadcast_in_dim3A_187, %broadcast_in_dim3A_187, %broadcast_in_dim3A_187, %broadcast_in_dim3A_187, %broadcast_in_dim3A_187, %broadcast_in_dim3A_187, %broadcast_in_dim3A_187, %broadcast_in_dim3A_187, %broadcast_in_dim3A_187, %broadcast_in_dim3A_189, %broadcast_in_dim3A_189, %broadcast_in_dim3A_189, %broadcast_in_dim3A_189, %broadcast_in_dim3A_189, %broadcast_in_dim3A_189, %broadcast_in_dim3A_189, %broadcast_in_dim3A_189, %broadcast_in_dim3A_189, %broadcast_in_dim3A_189, %broadcast_in_dim3A_189, %broadcast_in_dim3A_189, %broadcast_in_dim3A_189, %broadcast_in_dim3A_189, %broadcast_in_dim3A_189, %broadcast_in_dim3A_189 : i32, i32, vector<16xf32>, vector<16xf32>, vector<16xf32>, vector<16xf32>, vector<16xf32>, vector<16xf32>, vector<16xf32>, vector<16xf32>, vector<16xf32>, vector<16xf32>, vector<16xf32>, vector<16xf32>, vector<16xf32>, vector<16xf32>, vector<16xf32>, vector<16xf32>, vector<16xf32>, vector<16xf32>, vector<16xf32>, vector<16xf32>, vector<16xf32>, vector<16xf32>, vector<16xf32>, vector<16xf32>, vector<16xf32>, vector<16xf32>, vector<16xf32>, vector<16xf32>, vector<16xf32>, vector<16xf32>, vector<16xf32>, vector<16xf32>
          } else {
            scf.yield %scan3A_288, %scan3A_289, %scan3A_290, %scan3A_291, %scan3A_292, %scan3A_293, %scan3A_294, %scan3A_295, %scan3A_296, %scan3A_297, %scan3A_298, %scan3A_299, %scan3A_300, %scan3A_301, %scan3A_302, %scan3A_303, %scan3A_304, %scan3A_305, %scan3A_306, %scan3A_307, %scan3A_308, %scan3A_309, %scan3A_310, %scan3A_311, %scan3A_312, %scan3A_313, %scan3A_314, %scan3A_315, %scan3A_316, %scan3A_317, %scan3A_318, %scan3A_319, %scan3A_320, %scan3A_321 : i32, i32, vector<16xf32>, vector<16xf32>, vector<16xf32>, vector<16xf32>, vector<16xf32>, vector<16xf32>, vector<16xf32>, vector<16xf32>, vector<16xf32>, vector<16xf32>, vector<16xf32>, vector<16xf32>, vector<16xf32>, vector<16xf32>, vector<16xf32>, vector<16xf32>, vector<16xf32>, vector<16xf32>, vector<16xf32>, vector<16xf32>, vector<16xf32>, vector<16xf32>, vector<16xf32>, vector<16xf32>, vector<16xf32>, vector<16xf32>, vector<16xf32>, vector<16xf32>, vector<16xf32>, vector<16xf32>, vector<16xf32>, vector<16xf32>
          }
          %get3A_337 = arith.index_cast %scan3A_287 : i32 to index
          %get3A_338 = arith.constant 0 : index
          %get3A_339 = tpu.vector_load %arg5[%get3A_337, %get3A_338] {strides = array<i32>} : memref<64x256xf32, #tpu.memory_space<vmem>>, vector<16xf32>,
          %add3A_340 = arith.addf %cond3A_336#2, %get3A_339 : vector<16xf32>
          %get3A_341 = arith.index_cast %scan3A_287 : i32 to index
          %get3A_342 = arith.constant 16 : index
          %get3A_343 = tpu.vector_load %arg5[%get3A_341, %get3A_342] {strides = array<i32>} : memref<64x256xf32, #tpu.memory_space<vmem>>, vector<16xf32>,
          %add3A_344 = arith.addf %cond3A_336#3, %get3A_343 : vector<16xf32>
          %get3A_345 = arith.index_cast %scan3A_287 : i32 to index
          %get3A_346 = arith.constant 32 : index
          %get3A_347 = tpu.vector_load %arg5[%get3A_345, %get3A_346] {strides = array<i32>} : memref<64x256xf32, #tpu.memory_space<vmem>>, vector<16xf32>,
          %add3A_348 = arith.addf %cond3A_336#4, %get3A_347 : vector<16xf32>
          %get3A_349 = arith.index_cast %scan3A_287 : i32 to index
          %get3A_350 = arith.constant 48 : index
          %get3A_351 = tpu.vector_load %arg5[%get3A_349, %get3A_350] {strides = array<i32>} : memref<64x256xf32, #tpu.memory_space<vmem>>, vector<16xf32>,
          %add3A_352 = arith.addf %cond3A_336#5, %get3A_351 : vector<16xf32>
          %get3A_353 = arith.index_cast %scan3A_287 : i32 to index
          %get3A_354 = arith.constant 64 : index
          %get3A_355 = tpu.vector_load %arg5[%get3A_353, %get3A_354] {strides = array<i32>} : memref<64x256xf32, #tpu.memory_space<vmem>>, vector<16xf32>,
          %add3A_356 = arith.addf %cond3A_336#6, %get3A_355 : vector<16xf32>
          %get3A_357 = arith.index_cast %scan3A_287 : i32 to index
          %get3A_358 = arith.constant 80 : index
          %get3A_359 = tpu.vector_load %arg5[%get3A_357, %get3A_358] {strides = array<i32>} : memref<64x256xf32, #tpu.memory_space<vmem>>, vector<16xf32>,
          %add3A_360 = arith.addf %cond3A_336#7, %get3A_359 : vector<16xf32>
          %get3A_361 = arith.index_cast %scan3A_287 : i32 to index
          %get3A_362 = arith.constant 96 : index
          %get3A_363 = tpu.vector_load %arg5[%get3A_361, %get3A_362] {strides = array<i32>} : memref<64x256xf32, #tpu.memory_space<vmem>>, vector<16xf32>,
          %add3A_364 = arith.addf %cond3A_336#8, %get3A_363 : vector<16xf32>
          %get3A_365 = arith.index_cast %scan3A_287 : i32 to index
          %get3A_366 = arith.constant 112 : index
          %get3A_367 = tpu.vector_load %arg5[%get3A_365, %get3A_366] {strides = array<i32>} : memref<64x256xf32, #tpu.memory_space<vmem>>, vector<16xf32>,
          %add3A_368 = arith.addf %cond3A_336#9, %get3A_367 : vector<16xf32>
          %get3A_369 = arith.index_cast %scan3A_287 : i32 to index
          %get3A_370 = arith.constant 128 : index
          %get3A_371 = tpu.vector_load %arg5[%get3A_369, %get3A_370] {strides = array<i32>} : memref<64x256xf32, #tpu.memory_space<vmem>>, vector<16xf32>,
          %add3A_372 = arith.addf %cond3A_336#10, %get3A_371 : vector<16xf32>
          %get3A_373 = arith.index_cast %scan3A_287 : i32 to index
          %get3A_374 = arith.constant 144 : index
          %get3A_375 = tpu.vector_load %arg5[%get3A_373, %get3A_374] {strides = array<i32>} : memref<64x256xf32, #tpu.memory_space<vmem>>, vector<16xf32>,
          %add3A_376 = arith.addf %cond3A_336#11, %get3A_375 : vector<16xf32>
          %get3A_377 = arith.index_cast %scan3A_287 : i32 to index
          %get3A_378 = arith.constant 160 : index
          %get3A_379 = tpu.vector_load %arg5[%get3A_377, %get3A_378] {strides = array<i32>} : memref<64x256xf32, #tpu.memory_space<vmem>>, vector<16xf32>,
          %add3A_380 = arith.addf %cond3A_336#12, %get3A_379 : vector<16xf32>
          %get3A_381 = arith.index_cast %scan3A_287 : i32 to index
          %get3A_382 = arith.constant 176 : index
          %get3A_383 = tpu.vector_load %arg5[%get3A_381, %get3A_382] {strides = array<i32>} : memref<64x256xf32, #tpu.memory_space<vmem>>, vector<16xf32>,
          %add3A_384 = arith.addf %cond3A_336#13, %get3A_383 : vector<16xf32>
          %get3A_385 = arith.index_cast %scan3A_287 : i32 to index
          %get3A_386 = arith.constant 192 : index
          %get3A_387 = tpu.vector_load %arg5[%get3A_385, %get3A_386] {strides = array<i32>} : memref<64x256xf32, #tpu.memory_space<vmem>>, vector<16xf32>,
          %add3A_388 = arith.addf %cond3A_336#14, %get3A_387 : vector<16xf32>
          %get3A_389 = arith.index_cast %scan3A_287 : i32 to index
          %get3A_390 = arith.constant 208 : index
          %get3A_391 = tpu.vector_load %arg5[%get3A_389, %get3A_390] {strides = array<i32>} : memref<64x256xf32, #tpu.memory_space<vmem>>, vector<16xf32>,
          %add3A_392 = arith.addf %cond3A_336#15, %get3A_391 : vector<16xf32>
          %get3A_393 = arith.index_cast %scan3A_287 : i32 to index
          %get3A_394 = arith.constant 224 : index
          %get3A_395 = tpu.vector_load %arg5[%get3A_393, %get3A_394] {strides = array<i32>} : memref<64x256xf32, #tpu.memory_space<vmem>>, vector<16xf32>,
          %add3A_396 = arith.addf %cond3A_336#16, %get3A_395 : vector<16xf32>
          %get3A_397 = arith.index_cast %scan3A_287 : i32 to index
          %get3A_398 = arith.constant 240 : index
          %get3A_399 = tpu.vector_load %arg5[%get3A_397, %get3A_398] {strides = array<i32>} : memref<64x256xf32, #tpu.memory_space<vmem>>, vector<16xf32>,
          %add3A_400 = arith.addf %cond3A_336#17, %get3A_399 : vector<16xf32>
          %get3A_401 = arith.index_cast %scan3A_287 : i32 to index
          %get3A_402 = arith.constant 0 : index
          %get3A_403 = tpu.vector_load %arg5[%get3A_401, %get3A_402] {strides = array<i32>} : memref<64x256xf32, #tpu.memory_space<vmem>>, vector<16xf32>,
          %max3A_404 = arith.maximumf %cond3A_336#18, %get3A_403 : vector<16xf32>
          %get3A_405 = arith.index_cast %scan3A_287 : i32 to index
          %get3A_406 = arith.constant 16 : index
          %get3A_407 = tpu.vector_load %arg5[%get3A_405, %get3A_406] {strides = array<i32>} : memref<64x256xf32, #tpu.memory_space<vmem>>, vector<16xf32>,
          %max3A_408 = arith.maximumf %cond3A_336#19, %get3A_407 : vector<16xf32>
          %get3A_409 = arith.index_cast %scan3A_287 : i32 to index
          %get3A_410 = arith.constant 32 : index
          %get3A_411 = tpu.vector_load %arg5[%get3A_409, %get3A_410] {strides = array<i32>} : memref<64x256xf32, #tpu.memory_space<vmem>>, vector<16xf32>,
          %max3A_412 = arith.maximumf %cond3A_336#20, %get3A_411 : vector<16xf32>
          %get3A_413 = arith.index_cast %scan3A_287 : i32 to index
          %get3A_414 = arith.constant 48 : index
          %get3A_415 = tpu.vector_load %arg5[%get3A_413, %get3A_414] {strides = array<i32>} : memref<64x256xf32, #tpu.memory_space<vmem>>, vector<16xf32>,
          %max3A_416 = arith.maximumf %cond3A_336#21, %get3A_415 : vector<16xf32>
          %get3A_417 = arith.index_cast %scan3A_287 : i32 to index
          %get3A_418 = arith.constant 64 : index
          %get3A_419 = tpu.vector_load %arg5[%get3A_417, %get3A_418] {strides = array<i32>} : memref<64x256xf32, #tpu.memory_space<vmem>>, vector<16xf32>,
          %max3A_420 = arith.maximumf %cond3A_336#22, %get3A_419 : vector<16xf32>
          %get3A_421 = arith.index_cast %scan3A_287 : i32 to index
          %get3A_422 = arith.constant 80 : index
          %get3A_423 = tpu.vector_load %arg5[%get3A_421, %get3A_422] {strides = array<i32>} : memref<64x256xf32, #tpu.memory_space<vmem>>, vector<16xf32>,
          %max3A_424 = arith.maximumf %cond3A_336#23, %get3A_423 : vector<16xf32>
          %get3A_425 = arith.index_cast %scan3A_287 : i32 to index
          %get3A_426 = arith.constant 96 : index
          %get3A_427 = tpu.vector_load %arg5[%get3A_425, %get3A_426] {strides = array<i32>} : memref<64x256xf32, #tpu.memory_space<vmem>>, vector<16xf32>,
          %max3A_428 = arith.maximumf %cond3A_336#24, %get3A_427 : vector<16xf32>
          %get3A_429 = arith.index_cast %scan3A_287 : i32 to index
          %get3A_430 = arith.constant 112 : index
          %get3A_431 = tpu.vector_load %arg5[%get3A_429, %get3A_430] {strides = array<i32>} : memref<64x256xf32, #tpu.memory_space<vmem>>, vector<16xf32>,
          %max3A_432 = arith.maximumf %cond3A_336#25, %get3A_431 : vector<16xf32>
          %get3A_433 = arith.index_cast %scan3A_287 : i32 to index
          %get3A_434 = arith.constant 128 : index
          %get3A_435 = tpu.vector_load %arg5[%get3A_433, %get3A_434] {strides = array<i32>} : memref<64x256xf32, #tpu.memory_space<vmem>>, vector<16xf32>,
          %max3A_436 = arith.maximumf %cond3A_336#26, %get3A_435 : vector<16xf32>
          %get3A_437 = arith.index_cast %scan3A_287 : i32 to index
          %get3A_438 = arith.constant 144 : index
          %get3A_439 = tpu.vector_load %arg5[%get3A_437, %get3A_438] {strides = array<i32>} : memref<64x256xf32, #tpu.memory_space<vmem>>, vector<16xf32>,
          %max3A_440 = arith.maximumf %cond3A_336#27, %get3A_439 : vector<16xf32>
          %get3A_441 = arith.index_cast %scan3A_287 : i32 to index
          %get3A_442 = arith.constant 160 : index
          %get3A_443 = tpu.vector_load %arg5[%get3A_441, %get3A_442] {strides = array<i32>} : memref<64x256xf32, #tpu.memory_space<vmem>>, vector<16xf32>,
          %max3A_444 = arith.maximumf %cond3A_336#28, %get3A_443 : vector<16xf32>
          %get3A_445 = arith.index_cast %scan3A_287 : i32 to index
          %get3A_446 = arith.constant 176 : index
          %get3A_447 = tpu.vector_load %arg5[%get3A_445, %get3A_446] {strides = array<i32>} : memref<64x256xf32, #tpu.memory_space<vmem>>, vector<16xf32>,
          %max3A_448 = arith.maximumf %cond3A_336#29, %get3A_447 : vector<16xf32>
          %get3A_449 = arith.index_cast %scan3A_287 : i32 to index
          %get3A_450 = arith.constant 192 : index
          %get3A_451 = tpu.vector_load %arg5[%get3A_449, %get3A_450] {strides = array<i32>} : memref<64x256xf32, #tpu.memory_space<vmem>>, vector<16xf32>,
          %max3A_452 = arith.maximumf %cond3A_336#30, %get3A_451 : vector<16xf32>
          %get3A_453 = arith.index_cast %scan3A_287 : i32 to index
          %get3A_454 = arith.constant 208 : index
          %get3A_455 = tpu.vector_load %arg5[%get3A_453, %get3A_454] {strides = array<i32>} : memref<64x256xf32, #tpu.memory_space<vmem>>, vector<16xf32>,
          %max3A_456 = arith.maximumf %cond3A_336#31, %get3A_455 : vector<16xf32>
          %get3A_457 = arith.index_cast %scan3A_287 : i32 to index
          %get3A_458 = arith.constant 224 : index
          %get3A_459 = tpu.vector_load %arg5[%get3A_457, %get3A_458] {strides = array<i32>} : memref<64x256xf32, #tpu.memory_space<vmem>>, vector<16xf32>,
          %max3A_460 = arith.maximumf %cond3A_336#32, %get3A_459 : vector<16xf32>
          %get3A_461 = arith.index_cast %scan3A_287 : i32 to index
          %get3A_462 = arith.constant 240 : index
          %get3A_463 = tpu.vector_load %arg5[%get3A_461, %get3A_462] {strides = array<i32>} : memref<64x256xf32, #tpu.memory_space<vmem>>, vector<16xf32>,
          %max3A_464 = arith.maximumf %cond3A_336#33, %get3A_463 : vector<16xf32>
          %add3A_465 = arith.constant 1 : i32
          %add3A_466 = arith.addi %cond3A_336#1, %add3A_465 : i32
          scf.yield %cond3A_336#0, %add3A_466, %add3A_340, %add3A_344, %add3A_348, %add3A_352, %add3A_356, %add3A_360, %add3A_364, %add3A_368, %add3A_372, %add3A_376, %add3A_380, %add3A_384, %add3A_388, %add3A_392, %add3A_396, %add3A_400, %max3A_404, %max3A_408, %max3A_412, %max3A_416, %max3A_420, %max3A_424, %max3A_428, %max3A_432, %max3A_436, %max3A_440, %max3A_444, %max3A_448, %max3A_452, %max3A_456, %max3A_460, %max3A_464 : i32, i32, vector<16xf32>, vector<16xf32>, vector<16xf32>, vector<16xf32>, vector<16xf32>, vector<16xf32>, vector<16xf32>, vector<16xf32>, vector<16xf32>, vector<16xf32>, vector<16xf32>, vector<16xf32>, vector<16xf32>, vector<16xf32>, vector<16xf32>, vector<16xf32>, vector<16xf32>, vector<16xf32>, vector<16xf32>, vector<16xf32>, vector<16xf32>, vector<16xf32>, vector<16xf32>, vector<16xf32>, vector<16xf32>, vector<16xf32>, vector<16xf32>, vector<16xf32>, vector<16xf32>, vector<16xf32>, vector<16xf32>, vector<16xf32>
        } else {
          scf.yield %scan3A_288, %scan3A_289, %scan3A_290, %scan3A_291, %scan3A_292, %scan3A_293, %scan3A_294, %scan3A_295, %scan3A_296, %scan3A_297, %scan3A_298, %scan3A_299, %scan3A_300, %scan3A_301, %scan3A_302, %scan3A_303, %scan3A_304, %scan3A_305, %scan3A_306, %scan3A_307, %scan3A_308, %scan3A_309, %scan3A_310, %scan3A_311, %scan3A_312, %scan3A_313, %scan3A_314, %scan3A_315, %scan3A_316, %scan3A_317, %scan3A_318, %scan3A_319, %scan3A_320, %scan3A_321 : i32, i32, vector<16xf32>, vector<16xf32>, vector<16xf32>, vector<16xf32>, vector<16xf32>, vector<16xf32>, vector<16xf32>, vector<16xf32>, vector<16xf32>, vector<16xf32>, vector<16xf32>, vector<16xf32>, vector<16xf32>, vector<16xf32>, vector<16xf32>, vector<16xf32>, vector<16xf32>, vector<16xf32>, vector<16xf32>, vector<16xf32>, vector<16xf32>, vector<16xf32>, vector<16xf32>, vector<16xf32>, vector<16xf32>, vector<16xf32>, vector<16xf32>, vector<16xf32>, vector<16xf32>, vector<16xf32>, vector<16xf32>, vector<16xf32>
        }
        scf.yield %cond3A_331#0, %cond3A_331#1, %cond3A_331#2, %cond3A_331#3, %cond3A_331#4, %cond3A_331#5, %cond3A_331#6, %cond3A_331#7, %cond3A_331#8, %cond3A_331#9, %cond3A_331#10, %cond3A_331#11, %cond3A_331#12, %cond3A_331#13, %cond3A_331#14, %cond3A_331#15, %cond3A_331#16, %cond3A_331#17, %cond3A_331#18, %cond3A_331#19, %cond3A_331#20, %cond3A_331#21, %cond3A_331#22, %cond3A_331#23, %cond3A_331#24, %cond3A_331#25, %cond3A_331#26, %cond3A_331#27, %cond3A_331#28, %cond3A_331#29, %cond3A_331#30, %cond3A_331#31, %cond3A_331#32, %cond3A_331#33 : i32, i32, vector<16xf32>, vector<16xf32>, vector<16xf32>, vector<16xf32>, vector<16xf32>, vector<16xf32>, vector<16xf32>, vector<16xf32>, vector<16xf32>, vector<16xf32>, vector<16xf32>, vector<16xf32>, vector<16xf32>, vector<16xf32>, vector<16xf32>, vector<16xf32>, vector<16xf32>, vector<16xf32>, vector<16xf32>, vector<16xf32>, vector<16xf32>, vector<16xf32>, vector<16xf32>, vector<16xf32>, vector<16xf32>, vector<16xf32>, vector<16xf32>, vector<16xf32>, vector<16xf32>, vector<16xf32>, vector<16xf32>, vector<16xf32>
      }
      %scan3A_286 = arith.constant 64 : i32
      scf.yield %scan3A_285#0, %scan3A_285#1, %scan3A_285#2, %scan3A_285#3, %scan3A_285#4, %scan3A_285#5, %scan3A_285#6, %scan3A_285#7, %scan3A_285#8, %scan3A_285#9, %scan3A_285#10, %scan3A_285#11, %scan3A_285#12, %scan3A_285#13, %scan3A_285#14, %scan3A_285#15, %scan3A_285#16, %scan3A_285#17, %scan3A_285#18, %scan3A_285#19, %scan3A_285#20, %scan3A_285#21, %scan3A_285#22, %scan3A_285#23, %scan3A_285#24, %scan3A_285#25, %scan3A_285#26, %scan3A_285#27, %scan3A_285#28, %scan3A_285#29, %scan3A_285#30, %scan3A_285#31, %scan3A_285#32, %scan3A_285#33 : i32, i32, vector<16xf32>, vector<16xf32>, vector<16xf32>, vector<16xf32>, vector<16xf32>, vector<16xf32>, vector<16xf32>, vector<16xf32>, vector<16xf32>, vector<16xf32>, vector<16xf32>, vector<16xf32>, vector<16xf32>, vector<16xf32>, vector<16xf32>, vector<16xf32>, vector<16xf32>, vector<16xf32>, vector<16xf32>, vector<16xf32>, vector<16xf32>, vector<16xf32>, vector<16xf32>, vector<16xf32>, vector<16xf32>, vector<16xf32>, vector<16xf32>, vector<16xf32>, vector<16xf32>, vector<16xf32>, vector<16xf32>, vector<16xf32>
    }
    %while3A_224 = arith.constant 1 : i32
    %while3A_225:34 = scf.for %while3A_243 = %while3A_221 to %while3A_217 step %while3A_224 iter_args(%while3A_244 = %while3A_223#0, %while3A_245 = %while3A_223#1, %while3A_246 = %while3A_223#2, %while3A_247 = %while3A_223#3, %while3A_248 = %while3A_223#4, %while3A_249 = %while3A_223#5, %while3A_250 = %while3A_223#6, %while3A_251 = %while3A_223#7, %while3A_252 = %while3A_223#8, %while3A_253 = %while3A_223#9, %while3A_254 = %while3A_223#10, %while3A_255 = %while3A_223#11, %while3A_256 = %while3A_223#12, %while3A_257 = %while3A_223#13, %while3A_258 = %while3A_223#14, %while3A_259 = %while3A_223#15, %while3A_260 = %while3A_223#16, %while3A_261 = %while3A_223#17, %while3A_262 = %while3A_223#18, %while3A_263 = %while3A_223#19, %while3A_264 = %while3A_223#20, %while3A_265 = %while3A_223#21, %while3A_266 = %while3A_223#22, %while3A_267 = %while3A_223#23, %while3A_268 = %while3A_223#24, %while3A_269 = %while3A_223#25, %while3A_270 = %while3A_223#26, %while3A_271 = %while3A_223#27, %while3A_272 = %while3A_223#28, %while3A_273 = %while3A_223#29, %while3A_274 = %while3A_223#30, %while3A_275 = %while3A_223#31, %while3A_276 = %while3A_223#32, %while3A_277 = %while3A_223#33) -> (i32, i32, vector<16xf32>, vector<16xf32>, vector<16xf32>, vector<16xf32>, vector<16xf32>, vector<16xf32>, vector<16xf32>, vector<16xf32>, vector<16xf32>, vector<16xf32>, vector<16xf32>, vector<16xf32>, vector<16xf32>, vector<16xf32>, vector<16xf32>, vector<16xf32>, vector<16xf32>, vector<16xf32>, vector<16xf32>, vector<16xf32>, vector<16xf32>, vector<16xf32>, vector<16xf32>, vector<16xf32>, vector<16xf32>, vector<16xf32>, vector<16xf32>, vector<16xf32>, vector<16xf32>, vector<16xf32>, vector<16xf32>, vector<16xf32>)  : i32 {
      %mul3A_278 = arith.constant 64 : i32
      %mul3A_279 = arith.muli %while3A_243, %mul3A_278 : i32
      "tpu.region"() ({
        %run_scoped3A = tpu.sem_alloc : memref<!tpu.dma_semaphore, #tpu.memory_space<semaphore_mem>>
        %dma_start3A = arith.constant 0 : i32
        %dma_start3A_287 = tpu.memref_slice %arg2[%mul3A_279, %dma_start3A] : memref<160000x256xf32, #tpu.memory_space<hbm>> -> memref<64x256xf32, #tpu.memory_space<hbm>>
        %dma_start3A_288 = arith.constant 0 : i32
        %dma_start3A_289 = tpu.memref_slice %arg2[%mul3A_279, %dma_start3A_288] : memref<160000x256xf32, #tpu.memory_space<hbm>> -> memref<64x256xf32, #tpu.memory_space<hbm>>
        tpu.enqueue_dma source(%dma_start3A_289 : memref<64x256xf32, #tpu.memory_space<hbm>>) target(%arg5 : memref<64x256xf32, #tpu.memory_space<vmem>>) target_semaphore(%run_scoped3A : memref<!tpu.dma_semaphore, #tpu.memory_space<semaphore_mem>>)
        %dma_wait3A = arith.constant 0 : i32
        %dma_wait3A_290 = tpu.memref_slice %arg2[%mul3A_279, %dma_wait3A] : memref<160000x256xf32, #tpu.memory_space<hbm>> -> memref<64x256xf32, #tpu.memory_space<hbm>>
        %dma_wait3A_291 = arith.constant 0 : i32
        %dma_wait3A_292 = tpu.memref_slice %arg2[%mul3A_279, %dma_wait3A_291] : memref<160000x256xf32, #tpu.memory_space<hbm>> -> memref<64x256xf32, #tpu.memory_space<hbm>>
        tpu.wait_dma2 semaphore(%run_scoped3A : memref<!tpu.dma_semaphore, #tpu.memory_space<semaphore_mem>>) src(%dma_wait3A_292 : memref<64x256xf32, #tpu.memory_space<hbm>>) dst(%arg5 : memref<64x256xf32, #tpu.memory_space<vmem>>)
        tpu.yield
      }) : () -> ()
      %multiple_of3A_280 = tpu.assume_multiple %mul3A_279, 8 : i32
      "tpu.region"() ({
        %run_scoped3A = tpu.sem_alloc : memref<!tpu.dma_semaphore, #tpu.memory_space<semaphore_mem>>
        %dma_start3A = arith.constant 0 : i32
        %dma_start3A_287 = tpu.memref_slice %arg6[%dma_start3A] : memref<80xi32, #tpu.memory_space<vmem>> -> memref<64xi32, #tpu.memory_space<vmem>>
        %dma_start3A_288 = tpu.memref_slice %arg3[%multiple_of3A_280] : memref<160000xi32, #tpu.memory_space<hbm>> -> memref<64xi32, #tpu.memory_space<hbm>>
        %dma_start3A_289 = arith.constant 0 : i32
        %dma_start3A_290 = tpu.memref_slice %arg6[%dma_start3A_289] : memref<80xi32, #tpu.memory_space<vmem>> -> memref<64xi32, #tpu.memory_space<vmem>>
        %dma_start3A_291 = tpu.memref_slice %arg3[%multiple_of3A_280] : memref<160000xi32, #tpu.memory_space<hbm>> -> memref<64xi32, #tpu.memory_space<hbm>>
        tpu.enqueue_dma source(%dma_start3A_291 : memref<64xi32, #tpu.memory_space<hbm>>) target(%dma_start3A_290 : memref<64xi32, #tpu.memory_space<vmem>>) target_semaphore(%run_scoped3A : memref<!tpu.dma_semaphore, #tpu.memory_space<semaphore_mem>>)
        %dma_wait3A = arith.constant 0 : i32
        %dma_wait3A_292 = tpu.memref_slice %arg6[%dma_wait3A] : memref<80xi32, #tpu.memory_space<vmem>> -> memref<64xi32, #tpu.memory_space<vmem>>
        %dma_wait3A_293 = tpu.memref_slice %arg3[%multiple_of3A_280] : memref<160000xi32, #tpu.memory_space<hbm>> -> memref<64xi32, #tpu.memory_space<hbm>>
        %dma_wait3A_294 = arith.constant 0 : i32
        %dma_wait3A_295 = tpu.memref_slice %arg6[%dma_wait3A_294] : memref<80xi32, #tpu.memory_space<vmem>> -> memref<64xi32, #tpu.memory_space<vmem>>
        %dma_wait3A_296 = tpu.memref_slice %arg3[%multiple_of3A_280] : memref<160000xi32, #tpu.memory_space<hbm>> -> memref<64xi32, #tpu.memory_space<hbm>>
        tpu.wait_dma2 semaphore(%run_scoped3A : memref<!tpu.dma_semaphore, #tpu.memory_space<semaphore_mem>>) src(%dma_wait3A_296 : memref<64xi32, #tpu.memory_space<hbm>>) dst(%dma_wait3A_295 : memref<64xi32, #tpu.memory_space<vmem>>)
        tpu.yield
      }) : () -> ()
      %scan3A_281 = arith.constant 0 : i32
      %scan3A_282 = arith.constant 64 : i32
      %scan3A_283 = arith.addi %scan3A_281, %scan3A_282 : i32
      %scan3A_284 = arith.constant 1 : i32
      %scan3A_285:34 = scf.for %scan3A_287 = %scan3A_281 to %scan3A_283 step %scan3A_284 iter_args(%scan3A_288 = %while3A_244, %scan3A_289 = %while3A_245, %scan3A_290 = %while3A_246, %scan3A_291 = %while3A_247, %scan3A_292 = %while3A_248, %scan3A_293 = %while3A_249, %scan3A_294 = %while3A_250, %scan3A_295 = %while3A_251, %scan3A_296 = %while3A_252, %scan3A_297 = %while3A_253, %scan3A_298 = %while3A_254, %scan3A_299 = %while3A_255, %scan3A_300 = %while3A_256, %scan3A_301 = %while3A_257, %scan3A_302 = %while3A_258, %scan3A_303 = %while3A_259, %scan3A_304 = %while3A_260, %scan3A_305 = %while3A_261, %scan3A_306 = %while3A_262, %scan3A_307 = %while3A_263, %scan3A_308 = %while3A_264, %scan3A_309 = %while3A_265, %scan3A_310 = %while3A_266, %scan3A_311 = %while3A_267, %scan3A_312 = %while3A_268, %scan3A_313 = %while3A_269, %scan3A_314 = %while3A_270, %scan3A_315 = %while3A_271, %scan3A_316 = %while3A_272, %scan3A_317 = %while3A_273, %scan3A_318 = %while3A_274, %scan3A_319 = %while3A_275, %scan3A_320 = %while3A_276, %scan3A_321 = %while3A_277) -> (i32, i32, vector<16xf32>, vector<16xf32>, vector<16xf32>, vector<16xf32>, vector<16xf32>, vector<16xf32>, vector<16xf32>, vector<16xf32>, vector<16xf32>, vector<16xf32>, vector<16xf32>, vector<16xf32>, vector<16xf32>, vector<16xf32>, vector<16xf32>, vector<16xf32>, vector<16xf32>, vector<16xf32>, vector<16xf32>, vector<16xf32>, vector<16xf32>, vector<16xf32>, vector<16xf32>, vector<16xf32>, vector<16xf32>, vector<16xf32>, vector<16xf32>, vector<16xf32>, vector<16xf32>, vector<16xf32>, vector<16xf32>, vector<16xf32>)  : i32 {
        %add3A_322 = arith.addi %mul3A_279, %scan3A_287 : i32
        %get3A_323 = arith.index_cast %scan3A_287 : i32 to index
        %get3A_324 = tpu.vector_load %arg6[%get3A_323] {strides = array<i32>} : memref<80xi32, #tpu.memory_space<vmem>>, vector<16xi32>,
        %slice3A_325 = vector.extract_strided_slice %get3A_324 {offsets = [0], sizes = [1], strides = [1]} : vector<16xi32> to vector<1xi32>
        %squeeze3A_326 = vector.extract %slice3A_325[0] : i32 from vector<1xi32>
        %lt3A_327 = arith.cmpi slt, %add3A_322, %scan3A_184#1 : i32
        %convert_element_type3A_328 = arith.extui %lt3A_327 : i1 to i32
        %cond3A_329 = arith.constant 0 : i32
        %cond3A_330 = arith.cmpi ne, %convert_element_type3A_328, %cond3A_329 : i32
        %cond3A_331:34 = scf.if %cond3A_330 -> (i32, i32, vector<16xf32>, vector<16xf32>, vector<16xf32>, vector<16xf32>, vector<16xf32>, vector<16xf32>, vector<16xf32>, vector<16xf32>, vector<16xf32>, vector<16xf32>, vector<16xf32>, vector<16xf32>, vector<16xf32>, vector<16xf32>, vector<16xf32>, vector<16xf32>, vector<16xf32>, vector<16xf32>, vector<16xf32>, vector<16xf32>, vector<16xf32>, vector<16xf32>, vector<16xf32>, vector<16xf32>, vector<16xf32>, vector<16xf32>, vector<16xf32>, vector<16xf32>, vector<16xf32>, vector<16xf32>, vector<16xf32>, vector<16xf32>) {
          %ne3A_332 = arith.cmpi ne, %squeeze3A_326, %scan3A_288 : i32
          %convert_element_type3A_333 = arith.extui %ne3A_332 : i1 to i32
          %cond3A_334 = arith.constant 0 : i32
          %cond3A_335 = arith.cmpi ne, %convert_element_type3A_333, %cond3A_334 : i32
          %cond3A_336:34 = scf.if %cond3A_335 -> (i32, i32, vector<16xf32>, vector<16xf32>, vector<16xf32>, vector<16xf32>, vector<16xf32>, vector<16xf32>, vector<16xf32>, vector<16xf32>, vector<16xf32>, vector<16xf32>, vector<16xf32>, vector<16xf32>, vector<16xf32>, vector<16xf32>, vector<16xf32>, vector<16xf32>, vector<16xf32>, vector<16xf32>, vector<16xf32>, vector<16xf32>, vector<16xf32>, vector<16xf32>, vector<16xf32>, vector<16xf32>, vector<16xf32>, vector<16xf32>, vector<16xf32>, vector<16xf32>, vector<16xf32>, vector<16xf32>, vector<16xf32>, vector<16xf32>) {
            %ge3A_467 = arith.cmpi sge, %scan3A_288, %add3A_18 : i32
            %convert_element_type3A_468 = arith.extui %ge3A_467 : i1 to i32
            %cond3A_469 = arith.constant 0 : i32
            %cond3A_470 = arith.cmpi ne, %convert_element_type3A_468, %cond3A_469 : i32
            scf.if %cond3A_470 {
              %convert_element_type3A_485 = arith.sitofp %scan3A_289 : i32 to f32
              %broadcast_in_dim3A_486 = vector.broadcast %convert_element_type3A_485 : f32 to vector<16xf32>
              %div3A_487 = arith.constant 1.000000e+00 : f32
              %div3A_488 = vector.broadcast %div3A_487 : f32 to vector<16xf32>
              %div3A_489 = arith.divf %div3A_488, %broadcast_in_dim3A_486 : vector<16xf32>
              %mul3A_490 = arith.mulf %scan3A_290, %div3A_489 : vector<16xf32>
              %swap3A_491 = arith.constant 0 : index
              %swap3A_492 = tpu.vector_load %arg10[%swap3A_491] {strides = array<i32>} : memref<512xf32, #tpu.memory_space<vmem>>, vector<16xf32>,
              tpu.vector_store %arg10[%swap3A_491], %mul3A_490 {strides = array<i32>} : memref<512xf32, #tpu.memory_space<vmem>>, vector<16xf32>,
              %swap3A_493 = arith.constant 256 : index
              %swap3A_494 = tpu.vector_load %arg10[%swap3A_493] {strides = array<i32>} : memref<512xf32, #tpu.memory_space<vmem>>, vector<16xf32>,
              tpu.vector_store %arg10[%swap3A_493], %scan3A_306 {strides = array<i32>} : memref<512xf32, #tpu.memory_space<vmem>>, vector<16xf32>,
              %mul3A_495 = arith.mulf %scan3A_291, %div3A_489 : vector<16xf32>
              %swap3A_496 = arith.constant 16 : index
              %swap3A_497 = tpu.vector_load %arg10[%swap3A_496] {strides = array<i32>} : memref<512xf32, #tpu.memory_space<vmem>>, vector<16xf32>,
              tpu.vector_store %arg10[%swap3A_496], %mul3A_495 {strides = array<i32>} : memref<512xf32, #tpu.memory_space<vmem>>, vector<16xf32>,
              %swap3A_498 = arith.constant 272 : index
              %swap3A_499 = tpu.vector_load %arg10[%swap3A_498] {strides = array<i32>} : memref<512xf32, #tpu.memory_space<vmem>>, vector<16xf32>,
              tpu.vector_store %arg10[%swap3A_498], %scan3A_307 {strides = array<i32>} : memref<512xf32, #tpu.memory_space<vmem>>, vector<16xf32>,
              %mul3A_500 = arith.mulf %scan3A_292, %div3A_489 : vector<16xf32>
              %swap3A_501 = arith.constant 32 : index
              %swap3A_502 = tpu.vector_load %arg10[%swap3A_501] {strides = array<i32>} : memref<512xf32, #tpu.memory_space<vmem>>, vector<16xf32>,
              tpu.vector_store %arg10[%swap3A_501], %mul3A_500 {strides = array<i32>} : memref<512xf32, #tpu.memory_space<vmem>>, vector<16xf32>,
              %swap3A_503 = arith.constant 288 : index
              %swap3A_504 = tpu.vector_load %arg10[%swap3A_503] {strides = array<i32>} : memref<512xf32, #tpu.memory_space<vmem>>, vector<16xf32>,
              tpu.vector_store %arg10[%swap3A_503], %scan3A_308 {strides = array<i32>} : memref<512xf32, #tpu.memory_space<vmem>>, vector<16xf32>,
              %mul3A_505 = arith.mulf %scan3A_293, %div3A_489 : vector<16xf32>
              %swap3A_506 = arith.constant 48 : index
              %swap3A_507 = tpu.vector_load %arg10[%swap3A_506] {strides = array<i32>} : memref<512xf32, #tpu.memory_space<vmem>>, vector<16xf32>,
              tpu.vector_store %arg10[%swap3A_506], %mul3A_505 {strides = array<i32>} : memref<512xf32, #tpu.memory_space<vmem>>, vector<16xf32>,
              %swap3A_508 = arith.constant 304 : index
              %swap3A_509 = tpu.vector_load %arg10[%swap3A_508] {strides = array<i32>} : memref<512xf32, #tpu.memory_space<vmem>>, vector<16xf32>,
              tpu.vector_store %arg10[%swap3A_508], %scan3A_309 {strides = array<i32>} : memref<512xf32, #tpu.memory_space<vmem>>, vector<16xf32>,
              %mul3A_510 = arith.mulf %scan3A_294, %div3A_489 : vector<16xf32>
              %swap3A_511 = arith.constant 64 : index
              %swap3A_512 = tpu.vector_load %arg10[%swap3A_511] {strides = array<i32>} : memref<512xf32, #tpu.memory_space<vmem>>, vector<16xf32>,
              tpu.vector_store %arg10[%swap3A_511], %mul3A_510 {strides = array<i32>} : memref<512xf32, #tpu.memory_space<vmem>>, vector<16xf32>,
              %swap3A_513 = arith.constant 320 : index
              %swap3A_514 = tpu.vector_load %arg10[%swap3A_513] {strides = array<i32>} : memref<512xf32, #tpu.memory_space<vmem>>, vector<16xf32>,
              tpu.vector_store %arg10[%swap3A_513], %scan3A_310 {strides = array<i32>} : memref<512xf32, #tpu.memory_space<vmem>>, vector<16xf32>,
              %mul3A_515 = arith.mulf %scan3A_295, %div3A_489 : vector<16xf32>
              %swap3A_516 = arith.constant 80 : index
              %swap3A_517 = tpu.vector_load %arg10[%swap3A_516] {strides = array<i32>} : memref<512xf32, #tpu.memory_space<vmem>>, vector<16xf32>,
              tpu.vector_store %arg10[%swap3A_516], %mul3A_515 {strides = array<i32>} : memref<512xf32, #tpu.memory_space<vmem>>, vector<16xf32>,
              %swap3A_518 = arith.constant 336 : index
              %swap3A_519 = tpu.vector_load %arg10[%swap3A_518] {strides = array<i32>} : memref<512xf32, #tpu.memory_space<vmem>>, vector<16xf32>,
              tpu.vector_store %arg10[%swap3A_518], %scan3A_311 {strides = array<i32>} : memref<512xf32, #tpu.memory_space<vmem>>, vector<16xf32>,
              %mul3A_520 = arith.mulf %scan3A_296, %div3A_489 : vector<16xf32>
              %swap3A_521 = arith.constant 96 : index
              %swap3A_522 = tpu.vector_load %arg10[%swap3A_521] {strides = array<i32>} : memref<512xf32, #tpu.memory_space<vmem>>, vector<16xf32>,
              tpu.vector_store %arg10[%swap3A_521], %mul3A_520 {strides = array<i32>} : memref<512xf32, #tpu.memory_space<vmem>>, vector<16xf32>,
              %swap3A_523 = arith.constant 352 : index
              %swap3A_524 = tpu.vector_load %arg10[%swap3A_523] {strides = array<i32>} : memref<512xf32, #tpu.memory_space<vmem>>, vector<16xf32>,
              tpu.vector_store %arg10[%swap3A_523], %scan3A_312 {strides = array<i32>} : memref<512xf32, #tpu.memory_space<vmem>>, vector<16xf32>,
              %mul3A_525 = arith.mulf %scan3A_297, %div3A_489 : vector<16xf32>
              %swap3A_526 = arith.constant 112 : index
              %swap3A_527 = tpu.vector_load %arg10[%swap3A_526] {strides = array<i32>} : memref<512xf32, #tpu.memory_space<vmem>>, vector<16xf32>,
              tpu.vector_store %arg10[%swap3A_526], %mul3A_525 {strides = array<i32>} : memref<512xf32, #tpu.memory_space<vmem>>, vector<16xf32>,
              %swap3A_528 = arith.constant 368 : index
              %swap3A_529 = tpu.vector_load %arg10[%swap3A_528] {strides = array<i32>} : memref<512xf32, #tpu.memory_space<vmem>>, vector<16xf32>,
              tpu.vector_store %arg10[%swap3A_528], %scan3A_313 {strides = array<i32>} : memref<512xf32, #tpu.memory_space<vmem>>, vector<16xf32>,
              %mul3A_530 = arith.mulf %scan3A_298, %div3A_489 : vector<16xf32>
              %swap3A_531 = arith.constant 128 : index
              %swap3A_532 = tpu.vector_load %arg10[%swap3A_531] {strides = array<i32>} : memref<512xf32, #tpu.memory_space<vmem>>, vector<16xf32>,
              tpu.vector_store %arg10[%swap3A_531], %mul3A_530 {strides = array<i32>} : memref<512xf32, #tpu.memory_space<vmem>>, vector<16xf32>,
              %swap3A_533 = arith.constant 384 : index
              %swap3A_534 = tpu.vector_load %arg10[%swap3A_533] {strides = array<i32>} : memref<512xf32, #tpu.memory_space<vmem>>, vector<16xf32>,
              tpu.vector_store %arg10[%swap3A_533], %scan3A_314 {strides = array<i32>} : memref<512xf32, #tpu.memory_space<vmem>>, vector<16xf32>,
              %mul3A_535 = arith.mulf %scan3A_299, %div3A_489 : vector<16xf32>
              %swap3A_536 = arith.constant 144 : index
              %swap3A_537 = tpu.vector_load %arg10[%swap3A_536] {strides = array<i32>} : memref<512xf32, #tpu.memory_space<vmem>>, vector<16xf32>,
              tpu.vector_store %arg10[%swap3A_536], %mul3A_535 {strides = array<i32>} : memref<512xf32, #tpu.memory_space<vmem>>, vector<16xf32>,
              %swap3A_538 = arith.constant 400 : index
              %swap3A_539 = tpu.vector_load %arg10[%swap3A_538] {strides = array<i32>} : memref<512xf32, #tpu.memory_space<vmem>>, vector<16xf32>,
              tpu.vector_store %arg10[%swap3A_538], %scan3A_315 {strides = array<i32>} : memref<512xf32, #tpu.memory_space<vmem>>, vector<16xf32>,
              %mul3A_540 = arith.mulf %scan3A_300, %div3A_489 : vector<16xf32>
              %swap3A_541 = arith.constant 160 : index
              %swap3A_542 = tpu.vector_load %arg10[%swap3A_541] {strides = array<i32>} : memref<512xf32, #tpu.memory_space<vmem>>, vector<16xf32>,
              tpu.vector_store %arg10[%swap3A_541], %mul3A_540 {strides = array<i32>} : memref<512xf32, #tpu.memory_space<vmem>>, vector<16xf32>,
              %swap3A_543 = arith.constant 416 : index
              %swap3A_544 = tpu.vector_load %arg10[%swap3A_543] {strides = array<i32>} : memref<512xf32, #tpu.memory_space<vmem>>, vector<16xf32>,
              tpu.vector_store %arg10[%swap3A_543], %scan3A_316 {strides = array<i32>} : memref<512xf32, #tpu.memory_space<vmem>>, vector<16xf32>,
              %mul3A_545 = arith.mulf %scan3A_301, %div3A_489 : vector<16xf32>
              %swap3A_546 = arith.constant 176 : index
              %swap3A_547 = tpu.vector_load %arg10[%swap3A_546] {strides = array<i32>} : memref<512xf32, #tpu.memory_space<vmem>>, vector<16xf32>,
              tpu.vector_store %arg10[%swap3A_546], %mul3A_545 {strides = array<i32>} : memref<512xf32, #tpu.memory_space<vmem>>, vector<16xf32>,
              %swap3A_548 = arith.constant 432 : index
              %swap3A_549 = tpu.vector_load %arg10[%swap3A_548] {strides = array<i32>} : memref<512xf32, #tpu.memory_space<vmem>>, vector<16xf32>,
              tpu.vector_store %arg10[%swap3A_548], %scan3A_317 {strides = array<i32>} : memref<512xf32, #tpu.memory_space<vmem>>, vector<16xf32>,
              %mul3A_550 = arith.mulf %scan3A_302, %div3A_489 : vector<16xf32>
              %swap3A_551 = arith.constant 192 : index
              %swap3A_552 = tpu.vector_load %arg10[%swap3A_551] {strides = array<i32>} : memref<512xf32, #tpu.memory_space<vmem>>, vector<16xf32>,
              tpu.vector_store %arg10[%swap3A_551], %mul3A_550 {strides = array<i32>} : memref<512xf32, #tpu.memory_space<vmem>>, vector<16xf32>,
              %swap3A_553 = arith.constant 448 : index
              %swap3A_554 = tpu.vector_load %arg10[%swap3A_553] {strides = array<i32>} : memref<512xf32, #tpu.memory_space<vmem>>, vector<16xf32>,
              tpu.vector_store %arg10[%swap3A_553], %scan3A_318 {strides = array<i32>} : memref<512xf32, #tpu.memory_space<vmem>>, vector<16xf32>,
              %mul3A_555 = arith.mulf %scan3A_303, %div3A_489 : vector<16xf32>
              %swap3A_556 = arith.constant 208 : index
              %swap3A_557 = tpu.vector_load %arg10[%swap3A_556] {strides = array<i32>} : memref<512xf32, #tpu.memory_space<vmem>>, vector<16xf32>,
              tpu.vector_store %arg10[%swap3A_556], %mul3A_555 {strides = array<i32>} : memref<512xf32, #tpu.memory_space<vmem>>, vector<16xf32>,
              %swap3A_558 = arith.constant 464 : index
              %swap3A_559 = tpu.vector_load %arg10[%swap3A_558] {strides = array<i32>} : memref<512xf32, #tpu.memory_space<vmem>>, vector<16xf32>,
              tpu.vector_store %arg10[%swap3A_558], %scan3A_319 {strides = array<i32>} : memref<512xf32, #tpu.memory_space<vmem>>, vector<16xf32>,
              %mul3A_560 = arith.mulf %scan3A_304, %div3A_489 : vector<16xf32>
              %swap3A_561 = arith.constant 224 : index
              %swap3A_562 = tpu.vector_load %arg10[%swap3A_561] {strides = array<i32>} : memref<512xf32, #tpu.memory_space<vmem>>, vector<16xf32>,
              tpu.vector_store %arg10[%swap3A_561], %mul3A_560 {strides = array<i32>} : memref<512xf32, #tpu.memory_space<vmem>>, vector<16xf32>,
              %swap3A_563 = arith.constant 480 : index
              %swap3A_564 = tpu.vector_load %arg10[%swap3A_563] {strides = array<i32>} : memref<512xf32, #tpu.memory_space<vmem>>, vector<16xf32>,
              tpu.vector_store %arg10[%swap3A_563], %scan3A_320 {strides = array<i32>} : memref<512xf32, #tpu.memory_space<vmem>>, vector<16xf32>,
              %mul3A_565 = arith.mulf %scan3A_305, %div3A_489 : vector<16xf32>
              %swap3A_566 = arith.constant 240 : index
              %swap3A_567 = tpu.vector_load %arg10[%swap3A_566] {strides = array<i32>} : memref<512xf32, #tpu.memory_space<vmem>>, vector<16xf32>,
              tpu.vector_store %arg10[%swap3A_566], %mul3A_565 {strides = array<i32>} : memref<512xf32, #tpu.memory_space<vmem>>, vector<16xf32>,
              %swap3A_568 = arith.constant 496 : index
              %swap3A_569 = tpu.vector_load %arg10[%swap3A_568] {strides = array<i32>} : memref<512xf32, #tpu.memory_space<vmem>>, vector<16xf32>,
              tpu.vector_store %arg10[%swap3A_568], %scan3A_321 {strides = array<i32>} : memref<512xf32, #tpu.memory_space<vmem>>, vector<16xf32>,
              "tpu.region"() ({
                %run_scoped3A = tpu.sem_alloc : memref<!tpu.dma_semaphore, #tpu.memory_space<semaphore_mem>>
                %dma_start3A = arith.constant 0 : i32
                %dma_start3A_570 = tpu.memref_slice %arg4[%scan3A_288, %dma_start3A] : memref<10000x512xf32, #tpu.memory_space<hbm>> -> memref<1x512xf32, #tpu.memory_space<hbm>>
                %dma_start3A_571 = tpu.memref_squeeze %dma_start3A_570 : memref<1x512xf32, #tpu.memory_space<hbm>> -> memref<512xf32, #tpu.memory_space<hbm>>
                %dma_start3A_572 = arith.constant 0 : i32
                %dma_start3A_573 = tpu.memref_slice %arg4[%scan3A_288, %dma_start3A_572] : memref<10000x512xf32, #tpu.memory_space<hbm>> -> memref<1x512xf32, #tpu.memory_space<hbm>>
                %dma_start3A_574 = tpu.memref_squeeze %dma_start3A_573 : memref<1x512xf32, #tpu.memory_space<hbm>> -> memref<512xf32, #tpu.memory_space<hbm>>
                tpu.enqueue_dma source(%arg10 : memref<512xf32, #tpu.memory_space<vmem>>) target(%dma_start3A_574 : memref<512xf32, #tpu.memory_space<hbm>>) target_semaphore(%run_scoped3A : memref<!tpu.dma_semaphore, #tpu.memory_space<semaphore_mem>>)
                %dma_wait3A = arith.constant 0 : i32
                %dma_wait3A_575 = tpu.memref_slice %arg4[%scan3A_288, %dma_wait3A] : memref<10000x512xf32, #tpu.memory_space<hbm>> -> memref<1x512xf32, #tpu.memory_space<hbm>>
                %dma_wait3A_576 = tpu.memref_squeeze %dma_wait3A_575 : memref<1x512xf32, #tpu.memory_space<hbm>> -> memref<512xf32, #tpu.memory_space<hbm>>
                %dma_wait3A_577 = arith.constant 0 : i32
                %dma_wait3A_578 = tpu.memref_slice %arg4[%scan3A_288, %dma_wait3A_577] : memref<10000x512xf32, #tpu.memory_space<hbm>> -> memref<1x512xf32, #tpu.memory_space<hbm>>
                %dma_wait3A_579 = tpu.memref_squeeze %dma_wait3A_578 : memref<1x512xf32, #tpu.memory_space<hbm>> -> memref<512xf32, #tpu.memory_space<hbm>>
                tpu.wait_dma2 semaphore(%run_scoped3A : memref<!tpu.dma_semaphore, #tpu.memory_space<semaphore_mem>>) src(%arg10 : memref<512xf32, #tpu.memory_space<vmem>>) dst(%dma_wait3A_579 : memref<512xf32, #tpu.memory_space<hbm>>)
                tpu.yield
              }) : () -> ()
            } else {
            }
            %add3A_471 = arith.constant 1 : i32
            %add3A_472 = arith.addi %scan3A_288, %add3A_471 : i32
            %max3A_473 = arith.maxsi %add3A_472, %add3A_18 : i32
            %max3A_474 = arith.maxsi %max3A_473, %squeeze3A_326 : i32
            %while3A_475 = arith.constant 0 : i32
            %while3A_476 = arith.subi %max3A_474, %max3A_473 : i32
            %while3A_477 = arith.addi %max3A_473, %while3A_476 : i32
            %while3A_478 = arith.constant 1 : i32
            %while3A_479 = arith.divsi %while3A_476, %while3A_478 : i32
            %while3A_480 = arith.muli %while3A_479, %while3A_478 : i32
            %while3A_481 = arith.addi %max3A_473, %while3A_480 : i32
            %while3A_482 = arith.constant 1 : i32
            scf.for %while3A_485 = %max3A_473 to %while3A_481 step %while3A_482  : i32 {
              "tpu.region"() ({
                %run_scoped3A = tpu.sem_alloc : memref<!tpu.dma_semaphore, #tpu.memory_space<semaphore_mem>>
                %dma_start3A = arith.constant 0 : i32
                %dma_start3A_486 = tpu.memref_slice %arg4[%while3A_485, %dma_start3A] : memref<10000x512xf32, #tpu.memory_space<hbm>> -> memref<1x512xf32, #tpu.memory_space<hbm>>
                %dma_start3A_487 = tpu.memref_squeeze %dma_start3A_486 : memref<1x512xf32, #tpu.memory_space<hbm>> -> memref<512xf32, #tpu.memory_space<hbm>>
                %dma_start3A_488 = arith.constant 0 : i32
                %dma_start3A_489 = tpu.memref_slice %arg4[%while3A_485, %dma_start3A_488] : memref<10000x512xf32, #tpu.memory_space<hbm>> -> memref<1x512xf32, #tpu.memory_space<hbm>>
                %dma_start3A_490 = tpu.memref_squeeze %dma_start3A_489 : memref<1x512xf32, #tpu.memory_space<hbm>> -> memref<512xf32, #tpu.memory_space<hbm>>
                tpu.enqueue_dma source(%arg11 : memref<512xf32, #tpu.memory_space<vmem>>) target(%dma_start3A_490 : memref<512xf32, #tpu.memory_space<hbm>>) target_semaphore(%run_scoped3A : memref<!tpu.dma_semaphore, #tpu.memory_space<semaphore_mem>>)
                %dma_wait3A = arith.constant 0 : i32
                %dma_wait3A_491 = tpu.memref_slice %arg4[%while3A_485, %dma_wait3A] : memref<10000x512xf32, #tpu.memory_space<hbm>> -> memref<1x512xf32, #tpu.memory_space<hbm>>
                %dma_wait3A_492 = tpu.memref_squeeze %dma_wait3A_491 : memref<1x512xf32, #tpu.memory_space<hbm>> -> memref<512xf32, #tpu.memory_space<hbm>>
                %dma_wait3A_493 = arith.constant 0 : i32
                %dma_wait3A_494 = tpu.memref_slice %arg4[%while3A_485, %dma_wait3A_493] : memref<10000x512xf32, #tpu.memory_space<hbm>> -> memref<1x512xf32, #tpu.memory_space<hbm>>
                %dma_wait3A_495 = tpu.memref_squeeze %dma_wait3A_494 : memref<1x512xf32, #tpu.memory_space<hbm>> -> memref<512xf32, #tpu.memory_space<hbm>>
                tpu.wait_dma2 semaphore(%run_scoped3A : memref<!tpu.dma_semaphore, #tpu.memory_space<semaphore_mem>>) src(%arg11 : memref<512xf32, #tpu.memory_space<vmem>>) dst(%dma_wait3A_495 : memref<512xf32, #tpu.memory_space<hbm>>)
                tpu.yield
              }) : () -> ()
            }
            %while3A_483 = arith.constant 1 : i32
            scf.for %while3A_485 = %while3A_481 to %while3A_477 step %while3A_483  : i32 {
              "tpu.region"() ({
                %run_scoped3A = tpu.sem_alloc : memref<!tpu.dma_semaphore, #tpu.memory_space<semaphore_mem>>
                %dma_start3A = arith.constant 0 : i32
                %dma_start3A_486 = tpu.memref_slice %arg4[%while3A_485, %dma_start3A] : memref<10000x512xf32, #tpu.memory_space<hbm>> -> memref<1x512xf32, #tpu.memory_space<hbm>>
                %dma_start3A_487 = tpu.memref_squeeze %dma_start3A_486 : memref<1x512xf32, #tpu.memory_space<hbm>> -> memref<512xf32, #tpu.memory_space<hbm>>
                %dma_start3A_488 = arith.constant 0 : i32
                %dma_start3A_489 = tpu.memref_slice %arg4[%while3A_485, %dma_start3A_488] : memref<10000x512xf32, #tpu.memory_space<hbm>> -> memref<1x512xf32, #tpu.memory_space<hbm>>
                %dma_start3A_490 = tpu.memref_squeeze %dma_start3A_489 : memref<1x512xf32, #tpu.memory_space<hbm>> -> memref<512xf32, #tpu.memory_space<hbm>>
                tpu.enqueue_dma source(%arg11 : memref<512xf32, #tpu.memory_space<vmem>>) target(%dma_start3A_490 : memref<512xf32, #tpu.memory_space<hbm>>) target_semaphore(%run_scoped3A : memref<!tpu.dma_semaphore, #tpu.memory_space<semaphore_mem>>)
                %dma_wait3A = arith.constant 0 : i32
                %dma_wait3A_491 = tpu.memref_slice %arg4[%while3A_485, %dma_wait3A] : memref<10000x512xf32, #tpu.memory_space<hbm>> -> memref<1x512xf32, #tpu.memory_space<hbm>>
                %dma_wait3A_492 = tpu.memref_squeeze %dma_wait3A_491 : memref<1x512xf32, #tpu.memory_space<hbm>> -> memref<512xf32, #tpu.memory_space<hbm>>
                %dma_wait3A_493 = arith.constant 0 : i32
                %dma_wait3A_494 = tpu.memref_slice %arg4[%while3A_485, %dma_wait3A_493] : memref<10000x512xf32, #tpu.memory_space<hbm>> -> memref<1x512xf32, #tpu.memory_space<hbm>>
                %dma_wait3A_495 = tpu.memref_squeeze %dma_wait3A_494 : memref<1x512xf32, #tpu.memory_space<hbm>> -> memref<512xf32, #tpu.memory_space<hbm>>
                tpu.wait_dma2 semaphore(%run_scoped3A : memref<!tpu.dma_semaphore, #tpu.memory_space<semaphore_mem>>) src(%arg11 : memref<512xf32, #tpu.memory_space<vmem>>) dst(%dma_wait3A_495 : memref<512xf32, #tpu.memory_space<hbm>>)
                tpu.yield
              }) : () -> ()
            }
            %cond3A_484 = arith.constant 0 : i32
            scf.yield %squeeze3A_326, %cond3A_484, %broadcast_in_dim3A_187, %broadcast_in_dim3A_187, %broadcast_in_dim3A_187, %broadcast_in_dim3A_187, %broadcast_in_dim3A_187, %broadcast_in_dim3A_187, %broadcast_in_dim3A_187, %broadcast_in_dim3A_187, %broadcast_in_dim3A_187, %broadcast_in_dim3A_187, %broadcast_in_dim3A_187, %broadcast_in_dim3A_187, %broadcast_in_dim3A_187, %broadcast_in_dim3A_187, %broadcast_in_dim3A_187, %broadcast_in_dim3A_187, %broadcast_in_dim3A_189, %broadcast_in_dim3A_189, %broadcast_in_dim3A_189, %broadcast_in_dim3A_189, %broadcast_in_dim3A_189, %broadcast_in_dim3A_189, %broadcast_in_dim3A_189, %broadcast_in_dim3A_189, %broadcast_in_dim3A_189, %broadcast_in_dim3A_189, %broadcast_in_dim3A_189, %broadcast_in_dim3A_189, %broadcast_in_dim3A_189, %broadcast_in_dim3A_189, %broadcast_in_dim3A_189, %broadcast_in_dim3A_189 : i32, i32, vector<16xf32>, vector<16xf32>, vector<16xf32>, vector<16xf32>, vector<16xf32>, vector<16xf32>, vector<16xf32>, vector<16xf32>, vector<16xf32>, vector<16xf32>, vector<16xf32>, vector<16xf32>, vector<16xf32>, vector<16xf32>, vector<16xf32>, vector<16xf32>, vector<16xf32>, vector<16xf32>, vector<16xf32>, vector<16xf32>, vector<16xf32>, vector<16xf32>, vector<16xf32>, vector<16xf32>, vector<16xf32>, vector<16xf32>, vector<16xf32>, vector<16xf32>, vector<16xf32>, vector<16xf32>, vector<16xf32>, vector<16xf32>
          } else {
            scf.yield %scan3A_288, %scan3A_289, %scan3A_290, %scan3A_291, %scan3A_292, %scan3A_293, %scan3A_294, %scan3A_295, %scan3A_296, %scan3A_297, %scan3A_298, %scan3A_299, %scan3A_300, %scan3A_301, %scan3A_302, %scan3A_303, %scan3A_304, %scan3A_305, %scan3A_306, %scan3A_307, %scan3A_308, %scan3A_309, %scan3A_310, %scan3A_311, %scan3A_312, %scan3A_313, %scan3A_314, %scan3A_315, %scan3A_316, %scan3A_317, %scan3A_318, %scan3A_319, %scan3A_320, %scan3A_321 : i32, i32, vector<16xf32>, vector<16xf32>, vector<16xf32>, vector<16xf32>, vector<16xf32>, vector<16xf32>, vector<16xf32>, vector<16xf32>, vector<16xf32>, vector<16xf32>, vector<16xf32>, vector<16xf32>, vector<16xf32>, vector<16xf32>, vector<16xf32>, vector<16xf32>, vector<16xf32>, vector<16xf32>, vector<16xf32>, vector<16xf32>, vector<16xf32>, vector<16xf32>, vector<16xf32>, vector<16xf32>, vector<16xf32>, vector<16xf32>, vector<16xf32>, vector<16xf32>, vector<16xf32>, vector<16xf32>, vector<16xf32>, vector<16xf32>
          }
          %get3A_337 = arith.index_cast %scan3A_287 : i32 to index
          %get3A_338 = arith.constant 0 : index
          %get3A_339 = tpu.vector_load %arg5[%get3A_337, %get3A_338] {strides = array<i32>} : memref<64x256xf32, #tpu.memory_space<vmem>>, vector<16xf32>,
          %add3A_340 = arith.addf %cond3A_336#2, %get3A_339 : vector<16xf32>
          %get3A_341 = arith.index_cast %scan3A_287 : i32 to index
          %get3A_342 = arith.constant 16 : index
          %get3A_343 = tpu.vector_load %arg5[%get3A_341, %get3A_342] {strides = array<i32>} : memref<64x256xf32, #tpu.memory_space<vmem>>, vector<16xf32>,
          %add3A_344 = arith.addf %cond3A_336#3, %get3A_343 : vector<16xf32>
          %get3A_345 = arith.index_cast %scan3A_287 : i32 to index
          %get3A_346 = arith.constant 32 : index
          %get3A_347 = tpu.vector_load %arg5[%get3A_345, %get3A_346] {strides = array<i32>} : memref<64x256xf32, #tpu.memory_space<vmem>>, vector<16xf32>,
          %add3A_348 = arith.addf %cond3A_336#4, %get3A_347 : vector<16xf32>
          %get3A_349 = arith.index_cast %scan3A_287 : i32 to index
          %get3A_350 = arith.constant 48 : index
          %get3A_351 = tpu.vector_load %arg5[%get3A_349, %get3A_350] {strides = array<i32>} : memref<64x256xf32, #tpu.memory_space<vmem>>, vector<16xf32>,
          %add3A_352 = arith.addf %cond3A_336#5, %get3A_351 : vector<16xf32>
          %get3A_353 = arith.index_cast %scan3A_287 : i32 to index
          %get3A_354 = arith.constant 64 : index
          %get3A_355 = tpu.vector_load %arg5[%get3A_353, %get3A_354] {strides = array<i32>} : memref<64x256xf32, #tpu.memory_space<vmem>>, vector<16xf32>,
          %add3A_356 = arith.addf %cond3A_336#6, %get3A_355 : vector<16xf32>
          %get3A_357 = arith.index_cast %scan3A_287 : i32 to index
          %get3A_358 = arith.constant 80 : index
          %get3A_359 = tpu.vector_load %arg5[%get3A_357, %get3A_358] {strides = array<i32>} : memref<64x256xf32, #tpu.memory_space<vmem>>, vector<16xf32>,
          %add3A_360 = arith.addf %cond3A_336#7, %get3A_359 : vector<16xf32>
          %get3A_361 = arith.index_cast %scan3A_287 : i32 to index
          %get3A_362 = arith.constant 96 : index
          %get3A_363 = tpu.vector_load %arg5[%get3A_361, %get3A_362] {strides = array<i32>} : memref<64x256xf32, #tpu.memory_space<vmem>>, vector<16xf32>,
          %add3A_364 = arith.addf %cond3A_336#8, %get3A_363 : vector<16xf32>
          %get3A_365 = arith.index_cast %scan3A_287 : i32 to index
          %get3A_366 = arith.constant 112 : index
          %get3A_367 = tpu.vector_load %arg5[%get3A_365, %get3A_366] {strides = array<i32>} : memref<64x256xf32, #tpu.memory_space<vmem>>, vector<16xf32>,
          %add3A_368 = arith.addf %cond3A_336#9, %get3A_367 : vector<16xf32>
          %get3A_369 = arith.index_cast %scan3A_287 : i32 to index
          %get3A_370 = arith.constant 128 : index
          %get3A_371 = tpu.vector_load %arg5[%get3A_369, %get3A_370] {strides = array<i32>} : memref<64x256xf32, #tpu.memory_space<vmem>>, vector<16xf32>,
          %add3A_372 = arith.addf %cond3A_336#10, %get3A_371 : vector<16xf32>
          %get3A_373 = arith.index_cast %scan3A_287 : i32 to index
          %get3A_374 = arith.constant 144 : index
          %get3A_375 = tpu.vector_load %arg5[%get3A_373, %get3A_374] {strides = array<i32>} : memref<64x256xf32, #tpu.memory_space<vmem>>, vector<16xf32>,
          %add3A_376 = arith.addf %cond3A_336#11, %get3A_375 : vector<16xf32>
          %get3A_377 = arith.index_cast %scan3A_287 : i32 to index
          %get3A_378 = arith.constant 160 : index
          %get3A_379 = tpu.vector_load %arg5[%get3A_377, %get3A_378] {strides = array<i32>} : memref<64x256xf32, #tpu.memory_space<vmem>>, vector<16xf32>,
          %add3A_380 = arith.addf %cond3A_336#12, %get3A_379 : vector<16xf32>
          %get3A_381 = arith.index_cast %scan3A_287 : i32 to index
          %get3A_382 = arith.constant 176 : index
          %get3A_383 = tpu.vector_load %arg5[%get3A_381, %get3A_382] {strides = array<i32>} : memref<64x256xf32, #tpu.memory_space<vmem>>, vector<16xf32>,
          %add3A_384 = arith.addf %cond3A_336#13, %get3A_383 : vector<16xf32>
          %get3A_385 = arith.index_cast %scan3A_287 : i32 to index
          %get3A_386 = arith.constant 192 : index
          %get3A_387 = tpu.vector_load %arg5[%get3A_385, %get3A_386] {strides = array<i32>} : memref<64x256xf32, #tpu.memory_space<vmem>>, vector<16xf32>,
          %add3A_388 = arith.addf %cond3A_336#14, %get3A_387 : vector<16xf32>
          %get3A_389 = arith.index_cast %scan3A_287 : i32 to index
          %get3A_390 = arith.constant 208 : index
          %get3A_391 = tpu.vector_load %arg5[%get3A_389, %get3A_390] {strides = array<i32>} : memref<64x256xf32, #tpu.memory_space<vmem>>, vector<16xf32>,
          %add3A_392 = arith.addf %cond3A_336#15, %get3A_391 : vector<16xf32>
          %get3A_393 = arith.index_cast %scan3A_287 : i32 to index
          %get3A_394 = arith.constant 224 : index
          %get3A_395 = tpu.vector_load %arg5[%get3A_393, %get3A_394] {strides = array<i32>} : memref<64x256xf32, #tpu.memory_space<vmem>>, vector<16xf32>,
          %add3A_396 = arith.addf %cond3A_336#16, %get3A_395 : vector<16xf32>
          %get3A_397 = arith.index_cast %scan3A_287 : i32 to index
          %get3A_398 = arith.constant 240 : index
          %get3A_399 = tpu.vector_load %arg5[%get3A_397, %get3A_398] {strides = array<i32>} : memref<64x256xf32, #tpu.memory_space<vmem>>, vector<16xf32>,
          %add3A_400 = arith.addf %cond3A_336#17, %get3A_399 : vector<16xf32>
          %get3A_401 = arith.index_cast %scan3A_287 : i32 to index
          %get3A_402 = arith.constant 0 : index
          %get3A_403 = tpu.vector_load %arg5[%get3A_401, %get3A_402] {strides = array<i32>} : memref<64x256xf32, #tpu.memory_space<vmem>>, vector<16xf32>,
          %max3A_404 = arith.maximumf %cond3A_336#18, %get3A_403 : vector<16xf32>
          %get3A_405 = arith.index_cast %scan3A_287 : i32 to index
          %get3A_406 = arith.constant 16 : index
          %get3A_407 = tpu.vector_load %arg5[%get3A_405, %get3A_406] {strides = array<i32>} : memref<64x256xf32, #tpu.memory_space<vmem>>, vector<16xf32>,
          %max3A_408 = arith.maximumf %cond3A_336#19, %get3A_407 : vector<16xf32>
          %get3A_409 = arith.index_cast %scan3A_287 : i32 to index
          %get3A_410 = arith.constant 32 : index
          %get3A_411 = tpu.vector_load %arg5[%get3A_409, %get3A_410] {strides = array<i32>} : memref<64x256xf32, #tpu.memory_space<vmem>>, vector<16xf32>,
          %max3A_412 = arith.maximumf %cond3A_336#20, %get3A_411 : vector<16xf32>
          %get3A_413 = arith.index_cast %scan3A_287 : i32 to index
          %get3A_414 = arith.constant 48 : index
          %get3A_415 = tpu.vector_load %arg5[%get3A_413, %get3A_414] {strides = array<i32>} : memref<64x256xf32, #tpu.memory_space<vmem>>, vector<16xf32>,
          %max3A_416 = arith.maximumf %cond3A_336#21, %get3A_415 : vector<16xf32>
          %get3A_417 = arith.index_cast %scan3A_287 : i32 to index
          %get3A_418 = arith.constant 64 : index
          %get3A_419 = tpu.vector_load %arg5[%get3A_417, %get3A_418] {strides = array<i32>} : memref<64x256xf32, #tpu.memory_space<vmem>>, vector<16xf32>,
          %max3A_420 = arith.maximumf %cond3A_336#22, %get3A_419 : vector<16xf32>
          %get3A_421 = arith.index_cast %scan3A_287 : i32 to index
          %get3A_422 = arith.constant 80 : index
          %get3A_423 = tpu.vector_load %arg5[%get3A_421, %get3A_422] {strides = array<i32>} : memref<64x256xf32, #tpu.memory_space<vmem>>, vector<16xf32>,
          %max3A_424 = arith.maximumf %cond3A_336#23, %get3A_423 : vector<16xf32>
          %get3A_425 = arith.index_cast %scan3A_287 : i32 to index
          %get3A_426 = arith.constant 96 : index
          %get3A_427 = tpu.vector_load %arg5[%get3A_425, %get3A_426] {strides = array<i32>} : memref<64x256xf32, #tpu.memory_space<vmem>>, vector<16xf32>,
          %max3A_428 = arith.maximumf %cond3A_336#24, %get3A_427 : vector<16xf32>
          %get3A_429 = arith.index_cast %scan3A_287 : i32 to index
          %get3A_430 = arith.constant 112 : index
          %get3A_431 = tpu.vector_load %arg5[%get3A_429, %get3A_430] {strides = array<i32>} : memref<64x256xf32, #tpu.memory_space<vmem>>, vector<16xf32>,
          %max3A_432 = arith.maximumf %cond3A_336#25, %get3A_431 : vector<16xf32>
          %get3A_433 = arith.index_cast %scan3A_287 : i32 to index
          %get3A_434 = arith.constant 128 : index
          %get3A_435 = tpu.vector_load %arg5[%get3A_433, %get3A_434] {strides = array<i32>} : memref<64x256xf32, #tpu.memory_space<vmem>>, vector<16xf32>,
          %max3A_436 = arith.maximumf %cond3A_336#26, %get3A_435 : vector<16xf32>
          %get3A_437 = arith.index_cast %scan3A_287 : i32 to index
          %get3A_438 = arith.constant 144 : index
          %get3A_439 = tpu.vector_load %arg5[%get3A_437, %get3A_438] {strides = array<i32>} : memref<64x256xf32, #tpu.memory_space<vmem>>, vector<16xf32>,
          %max3A_440 = arith.maximumf %cond3A_336#27, %get3A_439 : vector<16xf32>
          %get3A_441 = arith.index_cast %scan3A_287 : i32 to index
          %get3A_442 = arith.constant 160 : index
          %get3A_443 = tpu.vector_load %arg5[%get3A_441, %get3A_442] {strides = array<i32>} : memref<64x256xf32, #tpu.memory_space<vmem>>, vector<16xf32>,
          %max3A_444 = arith.maximumf %cond3A_336#28, %get3A_443 : vector<16xf32>
          %get3A_445 = arith.index_cast %scan3A_287 : i32 to index
          %get3A_446 = arith.constant 176 : index
          %get3A_447 = tpu.vector_load %arg5[%get3A_445, %get3A_446] {strides = array<i32>} : memref<64x256xf32, #tpu.memory_space<vmem>>, vector<16xf32>,
          %max3A_448 = arith.maximumf %cond3A_336#29, %get3A_447 : vector<16xf32>
          %get3A_449 = arith.index_cast %scan3A_287 : i32 to index
          %get3A_450 = arith.constant 192 : index
          %get3A_451 = tpu.vector_load %arg5[%get3A_449, %get3A_450] {strides = array<i32>} : memref<64x256xf32, #tpu.memory_space<vmem>>, vector<16xf32>,
          %max3A_452 = arith.maximumf %cond3A_336#30, %get3A_451 : vector<16xf32>
          %get3A_453 = arith.index_cast %scan3A_287 : i32 to index
          %get3A_454 = arith.constant 208 : index
          %get3A_455 = tpu.vector_load %arg5[%get3A_453, %get3A_454] {strides = array<i32>} : memref<64x256xf32, #tpu.memory_space<vmem>>, vector<16xf32>,
          %max3A_456 = arith.maximumf %cond3A_336#31, %get3A_455 : vector<16xf32>
          %get3A_457 = arith.index_cast %scan3A_287 : i32 to index
          %get3A_458 = arith.constant 224 : index
          %get3A_459 = tpu.vector_load %arg5[%get3A_457, %get3A_458] {strides = array<i32>} : memref<64x256xf32, #tpu.memory_space<vmem>>, vector<16xf32>,
          %max3A_460 = arith.maximumf %cond3A_336#32, %get3A_459 : vector<16xf32>
          %get3A_461 = arith.index_cast %scan3A_287 : i32 to index
          %get3A_462 = arith.constant 240 : index
          %get3A_463 = tpu.vector_load %arg5[%get3A_461, %get3A_462] {strides = array<i32>} : memref<64x256xf32, #tpu.memory_space<vmem>>, vector<16xf32>,
          %max3A_464 = arith.maximumf %cond3A_336#33, %get3A_463 : vector<16xf32>
          %add3A_465 = arith.constant 1 : i32
          %add3A_466 = arith.addi %cond3A_336#1, %add3A_465 : i32
          scf.yield %cond3A_336#0, %add3A_466, %add3A_340, %add3A_344, %add3A_348, %add3A_352, %add3A_356, %add3A_360, %add3A_364, %add3A_368, %add3A_372, %add3A_376, %add3A_380, %add3A_384, %add3A_388, %add3A_392, %add3A_396, %add3A_400, %max3A_404, %max3A_408, %max3A_412, %max3A_416, %max3A_420, %max3A_424, %max3A_428, %max3A_432, %max3A_436, %max3A_440, %max3A_444, %max3A_448, %max3A_452, %max3A_456, %max3A_460, %max3A_464 : i32, i32, vector<16xf32>, vector<16xf32>, vector<16xf32>, vector<16xf32>, vector<16xf32>, vector<16xf32>, vector<16xf32>, vector<16xf32>, vector<16xf32>, vector<16xf32>, vector<16xf32>, vector<16xf32>, vector<16xf32>, vector<16xf32>, vector<16xf32>, vector<16xf32>, vector<16xf32>, vector<16xf32>, vector<16xf32>, vector<16xf32>, vector<16xf32>, vector<16xf32>, vector<16xf32>, vector<16xf32>, vector<16xf32>, vector<16xf32>, vector<16xf32>, vector<16xf32>, vector<16xf32>, vector<16xf32>, vector<16xf32>, vector<16xf32>
        } else {
          scf.yield %scan3A_288, %scan3A_289, %scan3A_290, %scan3A_291, %scan3A_292, %scan3A_293, %scan3A_294, %scan3A_295, %scan3A_296, %scan3A_297, %scan3A_298, %scan3A_299, %scan3A_300, %scan3A_301, %scan3A_302, %scan3A_303, %scan3A_304, %scan3A_305, %scan3A_306, %scan3A_307, %scan3A_308, %scan3A_309, %scan3A_310, %scan3A_311, %scan3A_312, %scan3A_313, %scan3A_314, %scan3A_315, %scan3A_316, %scan3A_317, %scan3A_318, %scan3A_319, %scan3A_320, %scan3A_321 : i32, i32, vector<16xf32>, vector<16xf32>, vector<16xf32>, vector<16xf32>, vector<16xf32>, vector<16xf32>, vector<16xf32>, vector<16xf32>, vector<16xf32>, vector<16xf32>, vector<16xf32>, vector<16xf32>, vector<16xf32>, vector<16xf32>, vector<16xf32>, vector<16xf32>, vector<16xf32>, vector<16xf32>, vector<16xf32>, vector<16xf32>, vector<16xf32>, vector<16xf32>, vector<16xf32>, vector<16xf32>, vector<16xf32>, vector<16xf32>, vector<16xf32>, vector<16xf32>, vector<16xf32>, vector<16xf32>, vector<16xf32>, vector<16xf32>
        }
        scf.yield %cond3A_331#0, %cond3A_331#1, %cond3A_331#2, %cond3A_331#3, %cond3A_331#4, %cond3A_331#5, %cond3A_331#6, %cond3A_331#7, %cond3A_331#8, %cond3A_331#9, %cond3A_331#10, %cond3A_331#11, %cond3A_331#12, %cond3A_331#13, %cond3A_331#14, %cond3A_331#15, %cond3A_331#16, %cond3A_331#17, %cond3A_331#18, %cond3A_331#19, %cond3A_331#20, %cond3A_331#21, %cond3A_331#22, %cond3A_331#23, %cond3A_331#24, %cond3A_331#25, %cond3A_331#26, %cond3A_331#27, %cond3A_331#28, %cond3A_331#29, %cond3A_331#30, %cond3A_331#31, %cond3A_331#32, %cond3A_331#33 : i32, i32, vector<16xf32>, vector<16xf32>, vector<16xf32>, vector<16xf32>, vector<16xf32>, vector<16xf32>, vector<16xf32>, vector<16xf32>, vector<16xf32>, vector<16xf32>, vector<16xf32>, vector<16xf32>, vector<16xf32>, vector<16xf32>, vector<16xf32>, vector<16xf32>, vector<16xf32>, vector<16xf32>, vector<16xf32>, vector<16xf32>, vector<16xf32>, vector<16xf32>, vector<16xf32>, vector<16xf32>, vector<16xf32>, vector<16xf32>, vector<16xf32>, vector<16xf32>, vector<16xf32>, vector<16xf32>, vector<16xf32>, vector<16xf32>
      }
      %scan3A_286 = arith.constant 64 : i32
      scf.yield %scan3A_285#0, %scan3A_285#1, %scan3A_285#2, %scan3A_285#3, %scan3A_285#4, %scan3A_285#5, %scan3A_285#6, %scan3A_285#7, %scan3A_285#8, %scan3A_285#9, %scan3A_285#10, %scan3A_285#11, %scan3A_285#12, %scan3A_285#13, %scan3A_285#14, %scan3A_285#15, %scan3A_285#16, %scan3A_285#17, %scan3A_285#18, %scan3A_285#19, %scan3A_285#20, %scan3A_285#21, %scan3A_285#22, %scan3A_285#23, %scan3A_285#24, %scan3A_285#25, %scan3A_285#26, %scan3A_285#27, %scan3A_285#28, %scan3A_285#29, %scan3A_285#30, %scan3A_285#31, %scan3A_285#32, %scan3A_285#33 : i32, i32, vector<16xf32>, vector<16xf32>, vector<16xf32>, vector<16xf32>, vector<16xf32>, vector<16xf32>, vector<16xf32>, vector<16xf32>, vector<16xf32>, vector<16xf32>, vector<16xf32>, vector<16xf32>, vector<16xf32>, vector<16xf32>, vector<16xf32>, vector<16xf32>, vector<16xf32>, vector<16xf32>, vector<16xf32>, vector<16xf32>, vector<16xf32>, vector<16xf32>, vector<16xf32>, vector<16xf32>, vector<16xf32>, vector<16xf32>, vector<16xf32>, vector<16xf32>, vector<16xf32>, vector<16xf32>, vector<16xf32>, vector<16xf32>
    }
    %ge3A = arith.cmpi sge, %while3A_225#0, %add3A_18 : i32
    %convert_element_type3A_226 = arith.extui %ge3A : i1 to i32
    %cond3A_227 = arith.constant 0 : i32
    %cond3A_228 = arith.cmpi ne, %convert_element_type3A_226, %cond3A_227 : i32
    scf.if %cond3A_228 {
      %convert_element_type3A_243 = arith.sitofp %while3A_225#1 : i32 to f32
      %broadcast_in_dim3A_244 = vector.broadcast %convert_element_type3A_243 : f32 to vector<16xf32>
      %div3A_245 = arith.constant 1.000000e+00 : f32
      %div3A_246 = vector.broadcast %div3A_245 : f32 to vector<16xf32>
      %div3A_247 = arith.divf %div3A_246, %broadcast_in_dim3A_244 : vector<16xf32>
      %mul3A_248 = arith.mulf %while3A_225#2, %div3A_247 : vector<16xf32>
      %swap3A_249 = arith.constant 0 : index
      %swap3A_250 = tpu.vector_load %arg10[%swap3A_249] {strides = array<i32>} : memref<512xf32, #tpu.memory_space<vmem>>, vector<16xf32>,
      tpu.vector_store %arg10[%swap3A_249], %mul3A_248 {strides = array<i32>} : memref<512xf32, #tpu.memory_space<vmem>>, vector<16xf32>,
      %swap3A_251 = arith.constant 256 : index
      %swap3A_252 = tpu.vector_load %arg10[%swap3A_251] {strides = array<i32>} : memref<512xf32, #tpu.memory_space<vmem>>, vector<16xf32>,
      tpu.vector_store %arg10[%swap3A_251], %while3A_225#18 {strides = array<i32>} : memref<512xf32, #tpu.memory_space<vmem>>, vector<16xf32>,
      %mul3A_253 = arith.mulf %while3A_225#3, %div3A_247 : vector<16xf32>
      %swap3A_254 = arith.constant 16 : index
      %swap3A_255 = tpu.vector_load %arg10[%swap3A_254] {strides = array<i32>} : memref<512xf32, #tpu.memory_space<vmem>>, vector<16xf32>,
      tpu.vector_store %arg10[%swap3A_254], %mul3A_253 {strides = array<i32>} : memref<512xf32, #tpu.memory_space<vmem>>, vector<16xf32>,
      %swap3A_256 = arith.constant 272 : index
      %swap3A_257 = tpu.vector_load %arg10[%swap3A_256] {strides = array<i32>} : memref<512xf32, #tpu.memory_space<vmem>>, vector<16xf32>,
      tpu.vector_store %arg10[%swap3A_256], %while3A_225#19 {strides = array<i32>} : memref<512xf32, #tpu.memory_space<vmem>>, vector<16xf32>,
      %mul3A_258 = arith.mulf %while3A_225#4, %div3A_247 : vector<16xf32>
      %swap3A_259 = arith.constant 32 : index
      %swap3A_260 = tpu.vector_load %arg10[%swap3A_259] {strides = array<i32>} : memref<512xf32, #tpu.memory_space<vmem>>, vector<16xf32>,
      tpu.vector_store %arg10[%swap3A_259], %mul3A_258 {strides = array<i32>} : memref<512xf32, #tpu.memory_space<vmem>>, vector<16xf32>,
      %swap3A_261 = arith.constant 288 : index
      %swap3A_262 = tpu.vector_load %arg10[%swap3A_261] {strides = array<i32>} : memref<512xf32, #tpu.memory_space<vmem>>, vector<16xf32>,
      tpu.vector_store %arg10[%swap3A_261], %while3A_225#20 {strides = array<i32>} : memref<512xf32, #tpu.memory_space<vmem>>, vector<16xf32>,
      %mul3A_263 = arith.mulf %while3A_225#5, %div3A_247 : vector<16xf32>
      %swap3A_264 = arith.constant 48 : index
      %swap3A_265 = tpu.vector_load %arg10[%swap3A_264] {strides = array<i32>} : memref<512xf32, #tpu.memory_space<vmem>>, vector<16xf32>,
      tpu.vector_store %arg10[%swap3A_264], %mul3A_263 {strides = array<i32>} : memref<512xf32, #tpu.memory_space<vmem>>, vector<16xf32>,
      %swap3A_266 = arith.constant 304 : index
      %swap3A_267 = tpu.vector_load %arg10[%swap3A_266] {strides = array<i32>} : memref<512xf32, #tpu.memory_space<vmem>>, vector<16xf32>,
      tpu.vector_store %arg10[%swap3A_266], %while3A_225#21 {strides = array<i32>} : memref<512xf32, #tpu.memory_space<vmem>>, vector<16xf32>,
      %mul3A_268 = arith.mulf %while3A_225#6, %div3A_247 : vector<16xf32>
      %swap3A_269 = arith.constant 64 : index
      %swap3A_270 = tpu.vector_load %arg10[%swap3A_269] {strides = array<i32>} : memref<512xf32, #tpu.memory_space<vmem>>, vector<16xf32>,
      tpu.vector_store %arg10[%swap3A_269], %mul3A_268 {strides = array<i32>} : memref<512xf32, #tpu.memory_space<vmem>>, vector<16xf32>,
      %swap3A_271 = arith.constant 320 : index
      %swap3A_272 = tpu.vector_load %arg10[%swap3A_271] {strides = array<i32>} : memref<512xf32, #tpu.memory_space<vmem>>, vector<16xf32>,
      tpu.vector_store %arg10[%swap3A_271], %while3A_225#22 {strides = array<i32>} : memref<512xf32, #tpu.memory_space<vmem>>, vector<16xf32>,
      %mul3A_273 = arith.mulf %while3A_225#7, %div3A_247 : vector<16xf32>
      %swap3A_274 = arith.constant 80 : index
      %swap3A_275 = tpu.vector_load %arg10[%swap3A_274] {strides = array<i32>} : memref<512xf32, #tpu.memory_space<vmem>>, vector<16xf32>,
      tpu.vector_store %arg10[%swap3A_274], %mul3A_273 {strides = array<i32>} : memref<512xf32, #tpu.memory_space<vmem>>, vector<16xf32>,
      %swap3A_276 = arith.constant 336 : index
      %swap3A_277 = tpu.vector_load %arg10[%swap3A_276] {strides = array<i32>} : memref<512xf32, #tpu.memory_space<vmem>>, vector<16xf32>,
      tpu.vector_store %arg10[%swap3A_276], %while3A_225#23 {strides = array<i32>} : memref<512xf32, #tpu.memory_space<vmem>>, vector<16xf32>,
      %mul3A_278 = arith.mulf %while3A_225#8, %div3A_247 : vector<16xf32>
      %swap3A_279 = arith.constant 96 : index
      %swap3A_280 = tpu.vector_load %arg10[%swap3A_279] {strides = array<i32>} : memref<512xf32, #tpu.memory_space<vmem>>, vector<16xf32>,
      tpu.vector_store %arg10[%swap3A_279], %mul3A_278 {strides = array<i32>} : memref<512xf32, #tpu.memory_space<vmem>>, vector<16xf32>,
      %swap3A_281 = arith.constant 352 : index
      %swap3A_282 = tpu.vector_load %arg10[%swap3A_281] {strides = array<i32>} : memref<512xf32, #tpu.memory_space<vmem>>, vector<16xf32>,
      tpu.vector_store %arg10[%swap3A_281], %while3A_225#24 {strides = array<i32>} : memref<512xf32, #tpu.memory_space<vmem>>, vector<16xf32>,
      %mul3A_283 = arith.mulf %while3A_225#9, %div3A_247 : vector<16xf32>
      %swap3A_284 = arith.constant 112 : index
      %swap3A_285 = tpu.vector_load %arg10[%swap3A_284] {strides = array<i32>} : memref<512xf32, #tpu.memory_space<vmem>>, vector<16xf32>,
      tpu.vector_store %arg10[%swap3A_284], %mul3A_283 {strides = array<i32>} : memref<512xf32, #tpu.memory_space<vmem>>, vector<16xf32>,
      %swap3A_286 = arith.constant 368 : index
      %swap3A_287 = tpu.vector_load %arg10[%swap3A_286] {strides = array<i32>} : memref<512xf32, #tpu.memory_space<vmem>>, vector<16xf32>,
      tpu.vector_store %arg10[%swap3A_286], %while3A_225#25 {strides = array<i32>} : memref<512xf32, #tpu.memory_space<vmem>>, vector<16xf32>,
      %mul3A_288 = arith.mulf %while3A_225#10, %div3A_247 : vector<16xf32>
      %swap3A_289 = arith.constant 128 : index
      %swap3A_290 = tpu.vector_load %arg10[%swap3A_289] {strides = array<i32>} : memref<512xf32, #tpu.memory_space<vmem>>, vector<16xf32>,
      tpu.vector_store %arg10[%swap3A_289], %mul3A_288 {strides = array<i32>} : memref<512xf32, #tpu.memory_space<vmem>>, vector<16xf32>,
      %swap3A_291 = arith.constant 384 : index
      %swap3A_292 = tpu.vector_load %arg10[%swap3A_291] {strides = array<i32>} : memref<512xf32, #tpu.memory_space<vmem>>, vector<16xf32>,
      tpu.vector_store %arg10[%swap3A_291], %while3A_225#26 {strides = array<i32>} : memref<512xf32, #tpu.memory_space<vmem>>, vector<16xf32>,
      %mul3A_293 = arith.mulf %while3A_225#11, %div3A_247 : vector<16xf32>
      %swap3A_294 = arith.constant 144 : index
      %swap3A_295 = tpu.vector_load %arg10[%swap3A_294] {strides = array<i32>} : memref<512xf32, #tpu.memory_space<vmem>>, vector<16xf32>,
      tpu.vector_store %arg10[%swap3A_294], %mul3A_293 {strides = array<i32>} : memref<512xf32, #tpu.memory_space<vmem>>, vector<16xf32>,
      %swap3A_296 = arith.constant 400 : index
      %swap3A_297 = tpu.vector_load %arg10[%swap3A_296] {strides = array<i32>} : memref<512xf32, #tpu.memory_space<vmem>>, vector<16xf32>,
      tpu.vector_store %arg10[%swap3A_296], %while3A_225#27 {strides = array<i32>} : memref<512xf32, #tpu.memory_space<vmem>>, vector<16xf32>,
      %mul3A_298 = arith.mulf %while3A_225#12, %div3A_247 : vector<16xf32>
      %swap3A_299 = arith.constant 160 : index
      %swap3A_300 = tpu.vector_load %arg10[%swap3A_299] {strides = array<i32>} : memref<512xf32, #tpu.memory_space<vmem>>, vector<16xf32>,
      tpu.vector_store %arg10[%swap3A_299], %mul3A_298 {strides = array<i32>} : memref<512xf32, #tpu.memory_space<vmem>>, vector<16xf32>,
      %swap3A_301 = arith.constant 416 : index
      %swap3A_302 = tpu.vector_load %arg10[%swap3A_301] {strides = array<i32>} : memref<512xf32, #tpu.memory_space<vmem>>, vector<16xf32>,
      tpu.vector_store %arg10[%swap3A_301], %while3A_225#28 {strides = array<i32>} : memref<512xf32, #tpu.memory_space<vmem>>, vector<16xf32>,
      %mul3A_303 = arith.mulf %while3A_225#13, %div3A_247 : vector<16xf32>
      %swap3A_304 = arith.constant 176 : index
      %swap3A_305 = tpu.vector_load %arg10[%swap3A_304] {strides = array<i32>} : memref<512xf32, #tpu.memory_space<vmem>>, vector<16xf32>,
      tpu.vector_store %arg10[%swap3A_304], %mul3A_303 {strides = array<i32>} : memref<512xf32, #tpu.memory_space<vmem>>, vector<16xf32>,
      %swap3A_306 = arith.constant 432 : index
      %swap3A_307 = tpu.vector_load %arg10[%swap3A_306] {strides = array<i32>} : memref<512xf32, #tpu.memory_space<vmem>>, vector<16xf32>,
      tpu.vector_store %arg10[%swap3A_306], %while3A_225#29 {strides = array<i32>} : memref<512xf32, #tpu.memory_space<vmem>>, vector<16xf32>,
      %mul3A_308 = arith.mulf %while3A_225#14, %div3A_247 : vector<16xf32>
      %swap3A_309 = arith.constant 192 : index
      %swap3A_310 = tpu.vector_load %arg10[%swap3A_309] {strides = array<i32>} : memref<512xf32, #tpu.memory_space<vmem>>, vector<16xf32>,
      tpu.vector_store %arg10[%swap3A_309], %mul3A_308 {strides = array<i32>} : memref<512xf32, #tpu.memory_space<vmem>>, vector<16xf32>,
      %swap3A_311 = arith.constant 448 : index
      %swap3A_312 = tpu.vector_load %arg10[%swap3A_311] {strides = array<i32>} : memref<512xf32, #tpu.memory_space<vmem>>, vector<16xf32>,
      tpu.vector_store %arg10[%swap3A_311], %while3A_225#30 {strides = array<i32>} : memref<512xf32, #tpu.memory_space<vmem>>, vector<16xf32>,
      %mul3A_313 = arith.mulf %while3A_225#15, %div3A_247 : vector<16xf32>
      %swap3A_314 = arith.constant 208 : index
      %swap3A_315 = tpu.vector_load %arg10[%swap3A_314] {strides = array<i32>} : memref<512xf32, #tpu.memory_space<vmem>>, vector<16xf32>,
      tpu.vector_store %arg10[%swap3A_314], %mul3A_313 {strides = array<i32>} : memref<512xf32, #tpu.memory_space<vmem>>, vector<16xf32>,
      %swap3A_316 = arith.constant 464 : index
      %swap3A_317 = tpu.vector_load %arg10[%swap3A_316] {strides = array<i32>} : memref<512xf32, #tpu.memory_space<vmem>>, vector<16xf32>,
      tpu.vector_store %arg10[%swap3A_316], %while3A_225#31 {strides = array<i32>} : memref<512xf32, #tpu.memory_space<vmem>>, vector<16xf32>,
      %mul3A_318 = arith.mulf %while3A_225#16, %div3A_247 : vector<16xf32>
      %swap3A_319 = arith.constant 224 : index
      %swap3A_320 = tpu.vector_load %arg10[%swap3A_319] {strides = array<i32>} : memref<512xf32, #tpu.memory_space<vmem>>, vector<16xf32>,
      tpu.vector_store %arg10[%swap3A_319], %mul3A_318 {strides = array<i32>} : memref<512xf32, #tpu.memory_space<vmem>>, vector<16xf32>,
      %swap3A_321 = arith.constant 480 : index
      %swap3A_322 = tpu.vector_load %arg10[%swap3A_321] {strides = array<i32>} : memref<512xf32, #tpu.memory_space<vmem>>, vector<16xf32>,
      tpu.vector_store %arg10[%swap3A_321], %while3A_225#32 {strides = array<i32>} : memref<512xf32, #tpu.memory_space<vmem>>, vector<16xf32>,
      %mul3A_323 = arith.mulf %while3A_225#17, %div3A_247 : vector<16xf32>
      %swap3A_324 = arith.constant 240 : index
      %swap3A_325 = tpu.vector_load %arg10[%swap3A_324] {strides = array<i32>} : memref<512xf32, #tpu.memory_space<vmem>>, vector<16xf32>,
      tpu.vector_store %arg10[%swap3A_324], %mul3A_323 {strides = array<i32>} : memref<512xf32, #tpu.memory_space<vmem>>, vector<16xf32>,
      %swap3A_326 = arith.constant 496 : index
      %swap3A_327 = tpu.vector_load %arg10[%swap3A_326] {strides = array<i32>} : memref<512xf32, #tpu.memory_space<vmem>>, vector<16xf32>,
      tpu.vector_store %arg10[%swap3A_326], %while3A_225#33 {strides = array<i32>} : memref<512xf32, #tpu.memory_space<vmem>>, vector<16xf32>,
      "tpu.region"() ({
        %run_scoped3A = tpu.sem_alloc : memref<!tpu.dma_semaphore, #tpu.memory_space<semaphore_mem>>
        %dma_start3A = arith.constant 0 : i32
        %dma_start3A_328 = tpu.memref_slice %arg4[%while3A_225#0, %dma_start3A] : memref<10000x512xf32, #tpu.memory_space<hbm>> -> memref<1x512xf32, #tpu.memory_space<hbm>>
        %dma_start3A_329 = tpu.memref_squeeze %dma_start3A_328 : memref<1x512xf32, #tpu.memory_space<hbm>> -> memref<512xf32, #tpu.memory_space<hbm>>
        %dma_start3A_330 = arith.constant 0 : i32
        %dma_start3A_331 = tpu.memref_slice %arg4[%while3A_225#0, %dma_start3A_330] : memref<10000x512xf32, #tpu.memory_space<hbm>> -> memref<1x512xf32, #tpu.memory_space<hbm>>
        %dma_start3A_332 = tpu.memref_squeeze %dma_start3A_331 : memref<1x512xf32, #tpu.memory_space<hbm>> -> memref<512xf32, #tpu.memory_space<hbm>>
        tpu.enqueue_dma source(%arg10 : memref<512xf32, #tpu.memory_space<vmem>>) target(%dma_start3A_332 : memref<512xf32, #tpu.memory_space<hbm>>) target_semaphore(%run_scoped3A : memref<!tpu.dma_semaphore, #tpu.memory_space<semaphore_mem>>)
        %dma_wait3A = arith.constant 0 : i32
        %dma_wait3A_333 = tpu.memref_slice %arg4[%while3A_225#0, %dma_wait3A] : memref<10000x512xf32, #tpu.memory_space<hbm>> -> memref<1x512xf32, #tpu.memory_space<hbm>>
        %dma_wait3A_334 = tpu.memref_squeeze %dma_wait3A_333 : memref<1x512xf32, #tpu.memory_space<hbm>> -> memref<512xf32, #tpu.memory_space<hbm>>
        %dma_wait3A_335 = arith.constant 0 : i32
        %dma_wait3A_336 = tpu.memref_slice %arg4[%while3A_225#0, %dma_wait3A_335] : memref<10000x512xf32, #tpu.memory_space<hbm>> -> memref<1x512xf32, #tpu.memory_space<hbm>>
        %dma_wait3A_337 = tpu.memref_squeeze %dma_wait3A_336 : memref<1x512xf32, #tpu.memory_space<hbm>> -> memref<512xf32, #tpu.memory_space<hbm>>
        tpu.wait_dma2 semaphore(%run_scoped3A : memref<!tpu.dma_semaphore, #tpu.memory_space<semaphore_mem>>) src(%arg10 : memref<512xf32, #tpu.memory_space<vmem>>) dst(%dma_wait3A_337 : memref<512xf32, #tpu.memory_space<hbm>>)
        tpu.yield
      }) : () -> ()
    } else {
    }
    %add3A_229 = arith.constant 1 : i32
    %add3A_230 = arith.addi %while3A_225#0, %add3A_229 : i32
    %add3A_231 = arith.constant 1 : i32
    %add3A_232 = arith.addi %select_n3A, %add3A_231 : i32
    %max3A = arith.maxsi %add3A_230, %add3A_18 : i32
    %max3A_233 = arith.maxsi %max3A, %add3A_232 : i32
    %while3A_234 = arith.constant 0 : i32
    %while3A_235 = arith.subi %max3A_233, %max3A : i32
    %while3A_236 = arith.addi %max3A, %while3A_235 : i32
    %while3A_237 = arith.constant 1 : i32
    %while3A_238 = arith.divsi %while3A_235, %while3A_237 : i32
    %while3A_239 = arith.muli %while3A_238, %while3A_237 : i32
    %while3A_240 = arith.addi %max3A, %while3A_239 : i32
    %while3A_241 = arith.constant 1 : i32
    scf.for %while3A_243 = %max3A to %while3A_240 step %while3A_241  : i32 {
      "tpu.region"() ({
        %run_scoped3A = tpu.sem_alloc : memref<!tpu.dma_semaphore, #tpu.memory_space<semaphore_mem>>
        %dma_start3A = arith.constant 0 : i32
        %dma_start3A_244 = tpu.memref_slice %arg4[%while3A_243, %dma_start3A] : memref<10000x512xf32, #tpu.memory_space<hbm>> -> memref<1x512xf32, #tpu.memory_space<hbm>>
        %dma_start3A_245 = tpu.memref_squeeze %dma_start3A_244 : memref<1x512xf32, #tpu.memory_space<hbm>> -> memref<512xf32, #tpu.memory_space<hbm>>
        %dma_start3A_246 = arith.constant 0 : i32
        %dma_start3A_247 = tpu.memref_slice %arg4[%while3A_243, %dma_start3A_246] : memref<10000x512xf32, #tpu.memory_space<hbm>> -> memref<1x512xf32, #tpu.memory_space<hbm>>
        %dma_start3A_248 = tpu.memref_squeeze %dma_start3A_247 : memref<1x512xf32, #tpu.memory_space<hbm>> -> memref<512xf32, #tpu.memory_space<hbm>>
        tpu.enqueue_dma source(%arg11 : memref<512xf32, #tpu.memory_space<vmem>>) target(%dma_start3A_248 : memref<512xf32, #tpu.memory_space<hbm>>) target_semaphore(%run_scoped3A : memref<!tpu.dma_semaphore, #tpu.memory_space<semaphore_mem>>)
        %dma_wait3A = arith.constant 0 : i32
        %dma_wait3A_249 = tpu.memref_slice %arg4[%while3A_243, %dma_wait3A] : memref<10000x512xf32, #tpu.memory_space<hbm>> -> memref<1x512xf32, #tpu.memory_space<hbm>>
        %dma_wait3A_250 = tpu.memref_squeeze %dma_wait3A_249 : memref<1x512xf32, #tpu.memory_space<hbm>> -> memref<512xf32, #tpu.memory_space<hbm>>
        %dma_wait3A_251 = arith.constant 0 : i32
        %dma_wait3A_252 = tpu.memref_slice %arg4[%while3A_243, %dma_wait3A_251] : memref<10000x512xf32, #tpu.memory_space<hbm>> -> memref<1x512xf32, #tpu.memory_space<hbm>>
        %dma_wait3A_253 = tpu.memref_squeeze %dma_wait3A_252 : memref<1x512xf32, #tpu.memory_space<hbm>> -> memref<512xf32, #tpu.memory_space<hbm>>
        tpu.wait_dma2 semaphore(%run_scoped3A : memref<!tpu.dma_semaphore, #tpu.memory_space<semaphore_mem>>) src(%arg11 : memref<512xf32, #tpu.memory_space<vmem>>) dst(%dma_wait3A_253 : memref<512xf32, #tpu.memory_space<hbm>>)
        tpu.yield
      }) : () -> ()
    }
    %while3A_242 = arith.constant 1 : i32
    scf.for %while3A_243 = %while3A_240 to %while3A_236 step %while3A_242  : i32 {
      "tpu.region"() ({
        %run_scoped3A = tpu.sem_alloc : memref<!tpu.dma_semaphore, #tpu.memory_space<semaphore_mem>>
        %dma_start3A = arith.constant 0 : i32
        %dma_start3A_244 = tpu.memref_slice %arg4[%while3A_243, %dma_start3A] : memref<10000x512xf32, #tpu.memory_space<hbm>> -> memref<1x512xf32, #tpu.memory_space<hbm>>
        %dma_start3A_245 = tpu.memref_squeeze %dma_start3A_244 : memref<1x512xf32, #tpu.memory_space<hbm>> -> memref<512xf32, #tpu.memory_space<hbm>>
        %dma_start3A_246 = arith.constant 0 : i32
        %dma_start3A_247 = tpu.memref_slice %arg4[%while3A_243, %dma_start3A_246] : memref<10000x512xf32, #tpu.memory_space<hbm>> -> memref<1x512xf32, #tpu.memory_space<hbm>>
        %dma_start3A_248 = tpu.memref_squeeze %dma_start3A_247 : memref<1x512xf32, #tpu.memory_space<hbm>> -> memref<512xf32, #tpu.memory_space<hbm>>
        tpu.enqueue_dma source(%arg11 : memref<512xf32, #tpu.memory_space<vmem>>) target(%dma_start3A_248 : memref<512xf32, #tpu.memory_space<hbm>>) target_semaphore(%run_scoped3A : memref<!tpu.dma_semaphore, #tpu.memory_space<semaphore_mem>>)
        %dma_wait3A = arith.constant 0 : i32
        %dma_wait3A_249 = tpu.memref_slice %arg4[%while3A_243, %dma_wait3A] : memref<10000x512xf32, #tpu.memory_space<hbm>> -> memref<1x512xf32, #tpu.memory_space<hbm>>
        %dma_wait3A_250 = tpu.memref_squeeze %dma_wait3A_249 : memref<1x512xf32, #tpu.memory_space<hbm>> -> memref<512xf32, #tpu.memory_space<hbm>>
        %dma_wait3A_251 = arith.constant 0 : i32
        %dma_wait3A_252 = tpu.memref_slice %arg4[%while3A_243, %dma_wait3A_251] : memref<10000x512xf32, #tpu.memory_space<hbm>> -> memref<1x512xf32, #tpu.memory_space<hbm>>
        %dma_wait3A_253 = tpu.memref_squeeze %dma_wait3A_252 : memref<1x512xf32, #tpu.memory_space<hbm>> -> memref<512xf32, #tpu.memory_space<hbm>>
        tpu.wait_dma2 semaphore(%run_scoped3A : memref<!tpu.dma_semaphore, #tpu.memory_space<semaphore_mem>>) src(%arg11 : memref<512xf32, #tpu.memory_space<vmem>>) dst(%dma_wait3A_253 : memref<512xf32, #tpu.memory_space<hbm>>)
        tpu.yield
      }) : () -> ()
    }
    return
  }
}

</mosaic_0001>

<sc_bundles>
// kernel: _pooling.3.cloned.1.call-start
scs
__scs_entry_jumppad:
0x0: {  	(pc) =	sbr.rel $0x88, $3  }
0x1: {  	(tag) =	ssettag $0x0;
	lr =	simm.s32 $0x1  }
0x2: {  	[smem:$0x3F9F] =	sst lr;
	_ =	strace $0xD0000000  }
0x3: {  	_ = 	snop  }
0x4: {  	_ = 	snop  }
0x5: {  	_ = 	snop  }
0x6: {  	_ = 	snop  }
0x7: {  	_ = 	snop  }
__scs_overlays_trampoline_lowered:
0x8: {  	[smem:$0x3FAE] =	sst s0  }
0x9: {  	[smem:$0x3FAF] =	sst s1  }
0xa: {  	[smem:$0x3FB0] =	sst s2  }
0xb: {  	[smem:$0x3FB1] =	sst s3  }
0xc: {  	[smem:$0x3FB2] =	sst s4  }
0xd: {  	[smem:$0x3FB3] =	sst s5  }
0xe: {  	[smem:$0x3FB4] =	sst s6  }
0xf: {  	[smem:$0x3FB5] =	sst s7  }
0x10: {  	[smem:$0x3FB6] =	sst s8  }
0x11: {  	[smem:$0x3FB7] =	sst s9;
	s0 =	simm.s32 @!p0 $0x0  }
0x12: {  	s1 =	sld [smem:$0x3F9D];
	s0 =	simm.s32 @p0 $0x1  }
0x13: {  	[smem:$0x3FB8] =	sst s0;
	s0 =	simm.s32 @!p1 $0x0  }
0x14: {  	s2 =	sld [smem:$0x3F9C];
	s0 =	simm.s32 @p1 $0x1  }
0x15: {  	[smem:$0x3FB9] =	sst s0;
	s0 =	simm.s32 @!p2 $0x0  }
0x16: {  	s3 =	sld [smem:$0x3FDB];
	s0 =	simm.s32 @p2 $0x1  }
0x17: {  	s4 =	simm.s32 $0x1BF5;
	[smem:$0x3FBB] =	sst s0  }
0x18: {  	s0 =	sld [smem:$0x3F9E];
	_ =	swait.ge [sflag:s4], $0x0  }
0x19: {  	s7 =	sld [smem:$0x3F9F]  }
0x1a: {  	s8 =	sadd.s32 $0xFFFFE003, lr  }
0x1b: {  	s9 =	sadd.s32 $0xFFFFFEF7, lr;
	s5 =	simm.s32 $0xFFFFFFFF;
	p2 =	slt.u32 s8, $0xFFFFF086  }
0x1c: {  	p1 =	slt.u32 s9, $0xF7A;
	s5 =	simm.s32 @!p2 $0x0  }
0x1d: {  	s5 =	simm.s32 @p1 $0x1;
	p0 =	seq.s32 s7, s2  }
0x1e: {  	s7 =	smul.u32 @!p0 $0xF7A, s2;
	p2 =	seq.s32 @!p0 s5, $0x0  }
0x1f: {  	s9 =	smul.u32 $0xF7A, s1;
	s8 =	simm.s32 @!p0 $0x1BF5;
	p2 =	por !p2, p0  }
0x20: {  	[sflag:s8] =	ssyncset.s32 @!p0 $0xFFFFF086;
	s6 =	sadd.s32 @!p0 s3, s7;
	s7 =	simm.s32 @!p0 $0x108  }
0x21: {  	s3 =	sadd.s32 s3, s9;
	s6 =	sadd.s32 @!p0 $0x88, s6;
	s7 =	simm.s32 @p2 $0x1082  }
0x22: {  	[simem:s7], [sflag:s8] =	dma.local @!p0 [hbm:s6], $0xF7A  }
0x23: {  	s9 =	sor.u32 $0xD0000000, s2;
	s6 =	simm.s32 $0x108;
	_ =	swait.ge @!p0 [sflag:s8], $0x0  }
0x24: {  	s3 =	sadd.s32 $0x88, s3;
	s6 =	simm.s32 @!p1 $0x1082;
	[sflag:s4] =	ssyncset.s32 $0xFFFFF086  }
0x25: {  	[simem:s6], [sflag:s4] =	dma.local [hbm:s3], $0xF7A  }
0x26: {  	[smem:$0x3F9F] =	sst s1;
	(tag) =	ssettag s2;
	_ =	strace s9  }
0x27: {  	s1 =	sld [smem:$0x3FAF]  }
0x28: {  	s2 =	sld [smem:$0x3FB0]  }
0x29: {  	s4 =	sld [smem:$0x3FB2]  }
0x2a: {  	p0 =	seq.s32 s5, $0x0;
	s5 =	sld [smem:$0x3FB3]  }
0x2b: {  	s6 =	sld [smem:$0x3FB4]  }
0x2c: {  	s7 =	sld [smem:$0x3FB5]  }
0x2d: {  	s3 =	simm.s32 $0x108;
	s8 =	sld [smem:$0x3FB6]  }
0x2e: {  	s3 =	simm.s32 @!p0 $0x1082;
	s9 =	sld [smem:$0x3FB7]  }
0x2f: {  	lr =	sadd.s32 s0, s3;
	s0 =	sld [smem:$0x3FAE]  }
0x30: {  	s3 =	sld [smem:$0x3FB1]  }
0x31: {  	[smem:$0x3FBA] =	sst s10  }
0x32: {  	s10 =	sld [smem:$0x3FB8];
	_ =	sdelay $0x3  }
0x33: {  	p0 =	seq.s32 s10, $0x1;
	s10 =	sld [smem:$0x3FBA];
	_ =	sdelay $0x3  }
0x34: {  	[smem:$0x3FBA] =	sst s10  }
0x35: {  	s10 =	sld [smem:$0x3FB9];
	_ =	sdelay $0x3  }
0x36: {  	p1 =	seq.s32 s10, $0x1;
	s10 =	sld [smem:$0x3FBA];
	_ =	sdelay $0x3  }
0x37: {  	[smem:$0x3FBA] =	sst s10  }
0x38: {  	s10 =	sld [smem:$0x3FBB]  }
0x39: {  	_ = 	snop;
	(pc) =	sbr.ind lr, $3  }
0x3a: {  	_ = 	snop  }
0x3b: {  	_ = 	snop  }
0x3c: {  	p2 =	seq.s32 s10, $0x1;
	s10 =	sld [smem:$0x3FBA]  }
0x3d: {  	_ =	shalt  }
0x3e: {  	_ =	shalt  }
0x3f: {  	_ =	shalt  }
0x40: {  	_ =	shalt  }
0x41: {  	_ =	shalt  }
0x42: {  	_ =	shalt  }
0x43: {  	_ =	shalt  }
0x44: {  	_ =	shalt  }
0x45: {  	_ =	shalt  }
0x46: {  	_ =	shalt  }
0x47: {  	_ =	shalt  }
0x48: {  	_ =	shalt  }
0x49: {  	_ =	shalt  }
0x4a: {  	_ =	shalt  }
0x4b: {  	_ =	shalt  }
0x4c: {  	_ =	shalt  }
0x4d: {  	_ =	shalt  }
0x4e: {  	_ =	shalt  }
0x4f: {  	_ =	shalt  }
0x50: {  	_ =	shalt  }
0x51: {  	_ =	shalt  }
0x52: {  	_ =	shalt  }
0x53: {  	_ =	shalt  }
0x54: {  	_ =	shalt  }
0x55: {  	_ =	shalt  }
0x56: {  	_ =	shalt  }
0x57: {  	_ =	shalt  }
0x58: {  	_ =	shalt  }
0x59: {  	_ =	shalt  }
0x5a: {  	_ =	shalt  }
0x5b: {  	_ =	shalt  }
0x5c: {  	_ =	shalt  }
0x5d: {  	_ =	shalt  }
0x5e: {  	_ =	shalt  }
0x5f: {  	_ =	shalt  }
0x60: {  	_ =	shalt  }
0x61: {  	_ =	shalt  }
0x62: {  	_ =	shalt  }
0x63: {  	_ =	shalt  }
0x64: {  	_ =	shalt  }
0x65: {  	_ =	shalt  }
0x66: {  	_ =	shalt  }
0x67: {  	_ =	shalt  }
0x68: {  	_ =	shalt  }
0x69: {  	_ =	shalt  }
0x6a: {  	_ =	shalt  }
0x6b: {  	_ =	shalt  }
0x6c: {  	_ =	shalt  }
0x6d: {  	_ =	shalt  }
0x6e: {  	_ =	shalt  }
0x6f: {  	_ =	shalt  }
0x70: {  	_ =	shalt  }
0x71: {  	_ =	shalt  }
0x72: {  	_ =	shalt  }
0x73: {  	_ =	shalt  }
0x74: {  	_ =	shalt  }
0x75: {  	_ =	shalt  }
0x76: {  	_ =	shalt  }
0x77: {  	_ =	shalt  }
0x78: {  	_ =	shalt  }
0x79: {  	_ =	shalt  }
0x7a: {  	_ =	shalt  }
0x7b: {  	_ =	shalt  }
0x7c: {  	_ =	shalt  }
0x7d: {  	_ =	shalt  }
0x7e: {  	_ =	shalt  }
0x7f: {  	_ =	shalt  }
0x80: {  	_ =	shalt  }
0x81: {  	_ =	shalt  }
0x82: {  	_ =	shalt  }
0x83: {  	_ =	shalt  }
0x84: {  	_ =	shalt  }
0x85: {  	_ =	shalt  }
0x86: {  	_ =	shalt  }
0x87: {  	_ =	shalt  }
.Lfunc_end0:
.L_simem_size_0:
called_computation_lowered:
.L_overlay_start_0:
0x88: {  	s2 =	sld [smem:$0x3FD9]  }
0x89: {  	s3 =	sld [smem:$0x3FFE];
	_ =	sdelay $0x1  }
0x8a: {  	s1 =	srdreg.scid  }
0x8b: {  	s0 =	sand.u32 $0x1, s1  }
0x8c: {  	s18 =	sshll.u32 s0, $0xA;
	s2 =	sadd.s32 s3, s2  }
0x8d: {  	s2 =	sadd.s32 s2, s18  }
0x8e: {  	[smem:$0x3FC6] =	sst s2  }
0x8f: {  	_ = 	snop  }
0x90: {  	s2 =	sld [smem:$0x3FC9]  }
0x91: {  	s19 =	sld [smem:$0x3FC8]  }
0x92: {  	s4 =	sld [smem:$0x3FD0];
	(tm) =	ssettm $0x1  }
0x93: {  	s5 =	sld [smem:$0x3FFB];
	_ =	sdelay $0x3  }
0x94: {  	_ =	strace s5  }
0x95: {  	s5 =	sld [smem:$0x3FFC];
	_ =	sdelay $0x3  }
0x96: {  	_ =	strace s5  }
0x97: {  	s5 =	sld [smem:$0x3FFD];
	_ =	sdelay $0x3  }
0x98: {  	_ =	strace s5  }
0x99: {  	_ =	strace $0x8FFFFFFF  }
0x9a: {  	s20 =	sld [smem:$0x3FDB];
	_ =	sdelay $0x1  }
0x9b: {  	s6 =	simm.s32 $_scs_section_size  }
0x9c: {  	s7 =	simm.s32 $_size__tile_overlayer_lowered;
	s8 =	simm.s32 $_tile_overlayer_lowered  }
0x9d: {  	s23 =	simm.s32 $0x1BFF;
	s22 =	sshll.u32 s8, $0x1;
	s5 =	sadd.s32 s6, s20  }
0x9e: {  	s9 =	simm.s32 $0x0;
	s21 =	sshll.u32 s7, $0x1;
	s7 =	sadd.s32 s22, s5  }
0x9f: {  	[timem:s9], [sflag:s23] =	dma.local [hbm:s7], s21  }
0xa0: {  	_ =	swait.ge [sflag:s23], s21  }
0xa1: {  	s6 =	ssub.s32 $0x0, s21;
	[sflag:s23] =	ssyncset.done $0x0  }
0xa2: {  	[sflag:s23] =	ssyncadd.s32 s6;
	_ =	sdelay $0x1  }
0xa3: {  	s24 =	simm.s32 $0x1B8B  }
0xa4: {  	_ =	swait.ge [sflag:s24], $0x1  }
0xa5: {  	[sflag:s24] =	ssyncset.done $0x0  }
0xa6: {  	s25 =	simm.s32 $0x1B8E;
	[sflag:s24] =	ssyncadd.s32 $0xFFFFFFFF  }
0xa7: {  	s26 =	simm.s32 $execute0_lowered;
	[smem:$0x3FD2] =	sst s25  }
0xa8: {  	s6 =	sshll.u32 s26, $0x1;
	_ =	strace $0x80000046;
	[dreg:$0x1] =	wrdreg $0xFFFFFFFF  }
0xa9: {  	s28 =	simm.s32 $_size_execute0_lowered;
	s5 =	sadd.s32 s5, s6;
	[dreg:$0x0] =	wrdreg $0x0  }
0xaa: {  	s6 =	sshll.u32 s28, $0x1;
	[dreg:$0x2] =	wrdreg s5  }
0xab: {  	[dreg:$0x3] =	wrdreg s6  }
0xac: {  	[dreg:$0x4] =	wrdreg $0xC0  }
0xad: {  	_ =	task [dreg:s9], $0x5FFFF  }
0xae: {  	[dreg:$0x1] =	wrdreg $0xFFFFFFFF  }
0xaf: {  	[dreg:$0x0] =	wrdreg $0x60  }
0xb0: {  	[dreg:$0x2] =	wrdreg s2  }
0xb1: {  	[dreg:$0x3] =	wrdreg s19  }
0xb2: {  	[dreg:$0x4] =	wrdreg s4  }
0xb3: {  	[dreg:$0x5] =	wrdreg $0x9  }
0xb4: {  	_ =	task.clear_ibuf [dreg:s9], $0x6FFFF;
	_ =	strace $0x90000046  }
0xb5: {  	s29 =	simm.s32 $0x9;
	_ =	strace $0x80000048  }
0xb6: {  	_ =	swait.ge [sflag:s29], $0x1  }
0xb7: {  	[sflag:s29] =	ssyncadd.s32 $0xFFFFFFFF  }
0xb8: {  	_ =	strace $0x90000048  }
0xb9: {  	_ =	sfence  }
0xba: {  	s30 =	sld [smem:$0x0];
	_ =	sdelay $0x2  }
0xbb: {  	s31 =	sshll.u32 s1, $0xD;
	s1 =	sshrl.u32 s1, $0x2  }
0xbc: {  	s3 =	sand.u32 $0x4000, s31;
	s1 =	sadd.s32 s1, s30  }
0xbd: {  	s0 =	sor.u32 s3, s0;
	s1 =	sshll.u32 s1, $0x11  }
0xbe: {  	s0 =	sor.u32 s1, s0  }
0xbf: {  	s0 =	sadd.s32 $0x8F2B, s0  }
0xc0: {  	[sflag:s0] =	ssyncadd.remote.s32 $0x1  }
0xc1: {  	_ =	sfence.sel $0xFFFF  }
0xc2: {  	[dreg:$0x0] =	wrdreg $0xFFFFFFFF;
	(pc) =	sbr.abs _section_cstart, $3  }
0xc3: {  	[dreg:$0x1] =	wrdreg $0xFFFFFFFF  }
0xc4: {  	_ =	task.clear_ibuf [dreg:s9], $0x2FFFF;
	_ =	strace $0x9FFFFFFF  }
0xc5: {  	(tm) =	ssettm $0x7FFFFFFF  }
tec
execute0_lowered:
.L_overlay_start_1:
0x0: {  	(tag) =	ssettag $0x1  }
0x1: {  	s1 =	rddreg [dreg:$0x0]  }
0x2: {  	s3 =	rddreg [dreg:$0x1];
	s0 =	srdreg.scid  }
0x3: {  	s2 =	stileid.u32;
	s4 =	rddreg [dreg:$0x2]  }
0x4: {  	s5 =	simm.s32 $0x0;
	s14 =	simm.s32 $0x1;
	s15 =	simm.s32 $0x4000  }
0x5: {  	s16 =	simm.s32 $0x80;
	s17 =	simm.s32 $0x400;
	s18 =	simm.s32 $0x4400  }
0x6: {  	s19 =	simm.s32 $0x4200;
	s0 =	sand.u32 $0x1, s0;
	s2 =	sshll.u32 s2, $0x1  }
0x7: {  	s20 =	simm.s32 $0x0;
	[smem:$0x7FF] =	sst s5;
	s2 =	sor.u32 s0, s2  }
0x8: {  	s0 =	ssub.s32 $0x2, s0;
	_ =	strace $0x80000047;
	s29 =	smul.u32 $0x1388, s2  }
0x9: {  	s6 =	sshrl.u32 s0, $0x1;
	p0 =	seq.s32 s2, $0x0;
	p1 =	seq.s32 s2, $0x1F  }
0xa: {  	p2 =	sne.s32 s2, $0x1F;
	s0 =	ssub.s32 s0, s6;
	s7 =	sadd.s32 $0xFFFFFFF0, s29  }
.Ltmp0:
0xb: {  	s8 =	sadd.s32 $0x1378, s29;
	s7 =	sshrl.u32 s7, $0x3;
	(pc) =	sbr.rel .LBB2_1-.Ltmp0, $4  }
0xc: {  	s6 =	sadd.s32 $0x1388, s29;
	s8 =	sshrl.u32 s8, $0x3;
	s7 =	sadd.s32 s3, s7  }
0xd: {  	s31 =	sshrl.u32 s6, $0x3;
	s30 =	sadd.s32 s3, s8;
	[dreg:$0x4] =	wrdreg s7  }
0xe: {  	v1 =	vlaneseq.u32;
	s10 =	sadd.s32 $0x1397, s29;
	[dreg:$0x5] =	wrdreg s30;
	s7 =	sadd.s32 s3, s31  }
0xf: {  	v0 =	vimm.f32 $0.0e+00;
	v1 =	vor.u32 $0x80000000, v1;
	s11 =	sshrl.u32 s29, $0x6;
	s12 =	smax.u32 s0, $0x1;
	[dreg:$0x6] =	wrdreg s7  }
.LBB2_22:
0x10: {  	_ =	swait.ge [sflag:s14], $0x200  }
0x11: {  	[sflag:s14] =	ssyncset.done $0x0  }
0x12: {  	[sflag:s14] =	ssyncadd.s32 $0xFFFFFE00  }
.LBB2_23:
0x13: {  	s20 =	sadd.s32 $0x1, s20  }
0x14: {  	p3 =	sne.s32 s20, s12  }
.Ltmp1:
0x15: {  	_ = 	snop;
	(pc) =	sbr.rel @!p3 .LBB2_24-.Ltmp1, $1  }
0x16: {  	_ =	sdelay $0x3  }
.LBB2_1:
0x17: {  	v2 =	vimm.s32 @p0 $0xFFFFFFFF  }
0x18: {  	s0 =	simm.s32 @!p0 $0x0;
	s2 =	simm.s32 @!p0 $0x4080;
	s5 =	rddreg [dreg:$0x4];
	[tilespmem:$0x4080] =	vst @p0 v2  }
0x19: {  	[tilespmem:s2], [sflag:$0x1] =	stream.linear.gather @!p0 [hbm4b:s5+s0], $0x10, $0x38;
	[tilespmem:$0x4600] =	vst v63  }
0x1a: {  	s0 =	simm.s32 @!p0 $0x1  }
0x1b: {  	_ =	swait.ge @!p0 [sflag:s0], $0x10  }
0x1c: {  	s24 =	simm.s32 $0x0;
	[sflag:s0] =	ssyncset.done @!p0 $0x0  }
0x1d: {  	s26 =	simm.s32 $0x4100;
	s25 =	rddreg [dreg:$0x5];
	[sflag:s0] =	ssyncadd.s32 @!p0 $0xFFFFFFF0  }
0x1e: {  	[tilespmem:s26], [sflag:$0x1] =	stream.linear.gather [hbm4b:s25+s24], $0x10, $0x38;
	[tilespmem:$0x4600] =	vst v63  }
0x1f: {  	_ =	swait.ge [sflag:s14], $0x10  }
0x20: {  	[sflag:s14] =	ssyncset.done $0x0  }
0x21: {  	[sflag:s14] =	ssyncadd.s32 $0xFFFFFFF0  }
0x22: {  	[tilespmem:$0x4400] =	vst v0  }
0x23: {  	[tilespmem:$0x4410] =	vst v0  }
0x24: {  	[tilespmem:$0x4420] =	vst v0  }
0x25: {  	[tilespmem:$0x4430] =	vst v0  }
0x26: {  	[tilespmem:$0x4440] =	vst v0  }
0x27: {  	[tilespmem:$0x4450] =	vst v0  }
0x28: {  	[tilespmem:$0x4460] =	vst v0  }
0x29: {  	[tilespmem:$0x4470] =	vst v0  }
0x2a: {  	[tilespmem:$0x4480] =	vst v0  }
0x2b: {  	[tilespmem:$0x4490] =	vst v0  }
0x2c: {  	[tilespmem:$0x44A0] =	vst v0  }
0x2d: {  	[tilespmem:$0x44B0] =	vst v0  }
0x2e: {  	[tilespmem:$0x44C0] =	vst v0  }
0x2f: {  	v2 =	vld [tilespmem:$0x4080];
	[tilespmem:$0x44D0] =	vst v0  }
0x30: {  	v3 =	vld [tilespmem:$0x4100];
	[tilespmem:$0x44E0] =	vst v0  }
0x31: {  	[tilespmem:$0x44F0] =	vst v0  }
0x32: {  	[tilespmem:$0x4500] =	vst v0  }
0x33: {  	[tilespmem:$0x4510] =	vst v0  }
0x34: {  	[tilespmem:$0x4520] =	vst v0;
	(v2sf) =	vpush v2, $0xF  }
0x35: {  	[tilespmem:$0x4530] =	vst v0;
	(v2sf) =	vpush v3, $0xF  }
0x36: {  	[tilespmem:$0x4540] =	vst v0  }
0x37: {  	[tilespmem:$0x4550] =	vst v0  }
0x38: {  	[tilespmem:$0x4560] =	vst v0  }
0x39: {  	[tilespmem:$0x4570] =	vst v0  }
0x3a: {  	[tilespmem:$0x4580] =	vst v0  }
0x3b: {  	[tilespmem:$0x4590] =	vst v0  }
0x3c: {  	[tilespmem:$0x45A0] =	vst v0  }
0x3d: {  	[tilespmem:$0x45B0] =	vst v0  }
0x3e: {  	[tilespmem:$0x45C0] =	vst v0  }
0x3f: {  	[tilespmem:$0x45D0] =	vst v0  }
0x40: {  	[tilespmem:$0x45E0] =	vst v0  }
0x41: {  	s2 =	simm.s32 @!p1 $0x4180;
	s0 =	simm.s32 @!p1 $0x0;
	s5 =	rddreg [dreg:$0x6];
	[tilespmem:$0x45F0] =	vst v0  }
0x42: {  	[tilespmem:s2], [sflag:$0x1] =	stream.linear.gather @!p1 [hbm4b:s5+s0], $0x10, $0x38;
	[tilespmem:$0x4600] =	vst v63  }
0x43: {  	s21 =	spop (v2sf)  }
0x44: {  	s0 =	simm.s32 @!p1 $0x1;
	s22 =	spop (v2sf)  }
0x45: {  	_ =	swait.ge @!p1 [sflag:s0], $0x10  }
0x46: {  	[sflag:s0] =	ssyncset.done @!p1 $0x0  }
0x47: {  	[sflag:s0] =	ssyncadd.s32 @!p1 $0xFFFFFFF0  }
0x48: {  	v2 =	vld [tilespmem:$0x4180];
	_ =	sdelay $0x2  }
0x49: {  	v3 =	vbroadcast v3, $0xF;
	_ =	sdelay $0x1  }
0x4a: {  	vm0 =	veq.s32 v2, v3  }
0x4b: {  	v2 =	vsel vm0, $0x80000010, v1  }
0x4c: {  	(xrf0) =	vmin.scan.msk.u32 $0xffff, v2;
	_ =	sdelay $0x5  }
0x4d: {  	v2, _, _ =	vpop (xrf0)  }
0x4e: {  	(v2sf) =	vpush v2, $0xF;
	_ =	sdelay $0xe  }
0x4f: {  	s28 =	spop (v2sf)  }
0x50: {  	s0 =	sxor.u32 $0x80000000, s28  }
0x51: {  	s24 =	sadd.s32 s6, s0  }
0x52: {  	p3 =	slt.s32 s0, $0x10;
	s0 =	smov.u32 s10;
	s2 =	sadd.s32 $0xFFFFFFFF, s24  }
0x53: {  	s24 =	simm.s32 @!p3 $0x27100;
	s0 =	smov.u32 @p3 s2  }
0x54: {  	s24 =	simm.s32 @!p2 $0x27100;
	s0 =	simm.s32 @!p2 $0x270FF  }
0x55: {  	s29 =	sadd.s32 s0, s24  }
0x56: {  	s30 =	sshrl.u32 s29, $0x1F  }
0x57: {  	s2 =	sadd.s32 s30, s29  }
0x58: {  	s13 =	sshra.s32 s2, $0x1  }
0x59: {  	s2 =	sand.u32 $0xFFFFFFF8, s13  }
0x5a: {  	s25 =	ssub.s32 s24, s0;
	p3 =	slt.s32 s2, $0x270F0  }
0x5b: {  	p4 =	slt.s32 s25, $0x2;
	s2 =	simm.s32 @!p3 $0x270F0  }
0x5c: {  	s7 =	simm.s32 @!p4 $0x1;
	s5 =	sshrl.u32 @!p4 s2, $0x3  }
0x5d: {  	s23 =	simm.s32 @!p4 $0x0;
	s26 =	simm.s32 @!p4 $0x4180;
	s5 =	sadd.s32 @!p4 s3, s5  }
0x5e: {  	[tilespmem:s26], [sflag:$0x1] =	stream.linear.gather @!p4 [hbm4b:s5+s23], $0x10, $0x38;
	[tilespmem:$0x4600] =	vst v63  }
0x5f: {  	_ =	swait.ge @!p4 [sflag:s7], $0x10  }
0x60: {  	[sflag:s7] =	ssyncset.done @!p4 $0x0  }
0x61: {  	s2 =	ssub.s32 s13, s2;
	[sflag:s7] =	ssyncadd.s32 @!p4 $0xFFFFFFF0  }
0x62: {  	v2 =	vld [tilespmem:s2+$0x4180];
	_ =	sdelay $0x4  }
0x63: {  	(v2sf) =	vpush v2, $0x0;
	_ =	sdelay $0xd  }
0x64: {  	s23 =	sadd.s32 $0x1, s21  }
0x65: {  	s5 =	smov.u32 s24;
	s7 =	smov.u32 s0;
	s31 =	spop (v2sf)  }
0x66: {  	p4 =	sgt.s32 s25, $0x1;
	p3 =	seq.s32 s31, s22;
	p5 =	sne.s32 s31, s22  }
0x67: {  	s2 =	simm.s32 $0x11;
	s7 =	smov.u32 @p3 s13;
	s5 =	smov.u32 @p5 s13  }
.LBB2_2:
0x68: {  	s2 =	sadd.s32 $0xFFFFFFFF, s2;
	s0 =	smov.u32 @p4 s7;
	s24 =	smov.u32 @p4 s5  }
0x69: {  	s5 =	ssub.s32 s24, s0;
	s7 =	sadd.s32 s0, s24;
	p3 =	sne.s32 s2, $0x0  }
0x6a: {  	s13 =	sshrl.u32 s7, $0x1F  }
0x6b: {  	s7 =	sadd.s32 s13, s7  }
0x6c: {  	s13 =	sshra.s32 s7, $0x1  }
0x6d: {  	s7 =	sand.u32 $0xFFFFFFF8, s13  }
0x6e: {  	p5 =	slt.s32 s7, $0x270F0  }
0x6f: {  	p4 =	slt.s32 s5, $0x2;
	s7 =	simm.s32 @!p5 $0x270F0  }
0x70: {  	s26 =	simm.s32 @!p4 $0x1;
	s25 =	ssub.s32 s13, s7;
	s7 =	sshrl.u32 @!p4 s7, $0x3  }
0x71: {  	s28 =	simm.s32 @!p4 $0x0;
	s29 =	simm.s32 @!p4 $0x4180;
	s7 =	sadd.s32 @!p4 s3, s7  }
0x72: {  	[tilespmem:s29], [sflag:$0x1] =	stream.linear.gather @!p4 [hbm4b:s7+s28], $0x10, $0x38;
	[tilespmem:$0x4600] =	vst v63  }
0x73: {  	_ =	swait.ge @!p4 [sflag:s26], $0x10  }
0x74: {  	[sflag:s26] =	ssyncset.done @!p4 $0x0  }
0x75: {  	[sflag:s26] =	ssyncadd.s32 @!p4 $0xFFFFFFF0  }
0x76: {  	v2 =	vld [tilespmem:s25+$0x4180];
	_ =	sdelay $0x4  }
0x77: {  	(v2sf) =	vpush v2, $0x0;
	_ =	sdelay $0xc  }
.Ltmp2:
0x78: {  	(pc) =	sbr.rel @p3 .LBB2_2-.Ltmp2, $4  }
0x79: {  	_ = 	snop  }
0x7a: {  	p4 =	sgt.s32 s5, $0x1;
	s5 =	smov.u32 s24;
	s7 =	spop (v2sf)  }
0x7b: {  	p5 =	seq.s32 s7, s22;
	p6 =	sne.s32 s7, s22;
	s7 =	smov.u32 s0  }
0x7c: {  	s7 =	smov.u32 @p5 s13;
	s5 =	smov.u32 @p6 s13  }
0x7d: {  	s24 =	smov.u32 @p4 s5  }
0x7e: {  	v4 =	vimm.f32 $0.0e+00;
	v2 =	vimm.f32 $-Inf;
	s0 =	sadd.s32 $0x3F, s24  }
0x7f: {  	v3 =	vimm.f32 $-Inf;
	v5 =	vimm.f32 $-Inf;
	v6 =	vimm.f32 $-Inf;
	s2 =	sshra.s32 s0, $0x1F  }
0x80: {  	v7 =	vimm.f32 $-Inf;
	v8 =	vimm.f32 $-Inf;
	v9 =	vimm.f32 $-Inf;
	s2 =	sshrl.u32 s2, $0x1A  }
0x81: {  	v10 =	vimm.f32 $-Inf;
	v11 =	vimm.f32 $-Inf;
	v13 =	vimm.f32 $-Inf;
	s0 =	sadd.s32 s2, s0  }
0x82: {  	v15 =	vimm.f32 $-Inf;
	v17 =	vimm.f32 $-Inf;
	v18 =	vimm.f32 $-Inf;
	s25 =	sshra.s32 s0, $0x6  }
0x83: {  	v20 =	vimm.f32 $-Inf;
	v21 =	vimm.f32 $-Inf;
	v23 =	vimm.f32 $-Inf;
	p3 =	sge.s32 s11, s25  }
.Ltmp3:
0x84: {  	v12 =	vimm.f32 $0.0e+00;
	v14 =	vimm.f32 $0.0e+00;
	v16 =	vimm.f32 $0.0e+00;
	(pc) =	sbr.rel @p3 .LBB2_17-.Ltmp3, $4  }
.Ltmp4:
0x85: {  	v19 =	vimm.f32 $0.0e+00;
	v22 =	vimm.f32 $0.0e+00;
	v24 =	vimm.f32 $0.0e+00;
	(pc) =	sbr.rel @!p3 .LBB2_4-.Ltmp4, $4  }
0x86: {  	v25 =	vimm.f32 $0.0e+00;
	v26 =	vimm.f32 $0.0e+00;
	v27 =	vimm.f32 $0.0e+00  }
0x87: {  	v28 =	vimm.f32 $0.0e+00;
	v29 =	vimm.f32 $0.0e+00;
	v30 =	vimm.f32 $0.0e+00;
	s26 =	simm.s32 $0x0  }
0x88: {  	v31 =	vimm.f32 $0.0e+00;
	v32 =	vimm.f32 $0.0e+00;
	v33 =	vimm.f32 $0.0e+00;
	s28 =	simm.s32 $0x0;
	s29 =	smov.u32 s11;
	s0 =	simm.f32 $0.0e+00  }
0x89: {  	_ = 	snop  }
.LBB2_15:
0x8a: {  	s29 =	sadd.s32 $0x1, s29  }
0x8b: {  	p3 =	slt.s32 s29, s25  }
.Ltmp5:
0x8c: {  	_ = 	snop;
	(pc) =	sbr.rel @!p3 .LBB2_16-.Ltmp5, $1  }
0x8d: {  	_ =	sdelay $0x3  }
.LBB2_4:
0x8e: {  	s0 =	sshll.u32 s29, $0xB  }
0x8f: {  	s0 =	sand.u32 $0x1FFFF800, s0  }
0x90: {  	s0 =	sadd.s32 s1, s0  }
0x91: {  	[tilespmem:s26], [sflag:$0x1] =	stream.linear.gather [hbm4b:s0+s26], $0x4000, $0x38;
	[tilespmem:$0x4600] =	vst v63  }
0x92: {  	s30 =	sshll.u32 s29, $0x6;
	_ =	swait.ge [sflag:s14], $0x4000  }
0x93: {  	s13 =	sshrl.u32 s30, $0x3;
	[sflag:s14] =	ssyncset.done $0x0  }
.Ltmp6:
0x94: {  	s0 =	sadd.s32 s3, s13;
	[sflag:s14] =	ssyncadd.s32 $0xFFFFC000;
	(pc) =	sbr.rel .LBB2_5-.Ltmp6, $4  }
0x95: {  	[tilespmem:s15], [sflag:$0x1] =	stream.linear.gather [hbm4b:s0+s26], $0x40, $0x38;
	[tilespmem:$0x4600] =	vst v63  }
0x96: {  	_ =	swait.ge [sflag:s14], $0x40  }
0x97: {  	[sflag:s14] =	ssyncset.done $0x0  }
0x98: {  	s31 =	simm.s32 $0x0;
	[sflag:s14] =	ssyncadd.s32 $0xFFFFFFC0  }
.LBB2_12:
0x99: {  	_ =	swait.ge [sflag:s14], $0x200  }
0x9a: {  	[sflag:s14] =	ssyncset.done $0x0  }
0x9b: {  	[sflag:s14] =	ssyncadd.s32 $0xFFFFFE00  }
.LBB2_13:
0x9c: {  	s5 =	sshll.u32 s31, $0x8;
	s7 =	sshll.u32 s31, $0x7  }
0x9d: {  	s5 =	sand.u32 $0x3800, s5;
	s7 =	sand.u32 $0x380, s7  }
0x9e: {  	s5 =	sor.u32 s7, s5  }
0x9f: {  	v34 =	vld [tilespmem:s5+$0x0]  }
0xa0: {  	v35 =	vld [tilespmem:s5+$0x10]  }
0xa1: {  	v36 =	vld [tilespmem:s5+$0x20]  }
0xa2: {  	v37 =	vld [tilespmem:s5+$0x30]  }
0xa3: {  	v38 =	vld [tilespmem:s5+$0x40]  }
0xa4: {  	v39 =	vld [tilespmem:s5+$0x50]  }
0xa5: {  	v40 =	vld [tilespmem:s5+$0x60]  }
0xa6: {  	v41 =	vld [tilespmem:s5+$0x70]  }
0xa7: {  	v42 =	vld [tilespmem:s5+$0x400]  }
0xa8: {  	v33 =	vpsel !p3, $0x0, v33;
	v43 =	vld [tilespmem:s5+$0x410]  }
0xa9: {  	v32 =	vpsel !p3, $0x0, v32;
	v31 =	vpsel !p3, $0x0, v31;
	v30 =	vpsel !p3, $0x0, v30;
	v44 =	vld [tilespmem:s5+$0x420]  }
0xaa: {  	v29 =	vpsel !p3, $0x0, v29;
	v28 =	vpsel !p3, $0x0, v28;
	v27 =	vpsel !p3, $0x0, v27;
	v45 =	vld [tilespmem:s5+$0x430]  }
0xab: {  	v26 =	vpsel !p3, $0x0, v26;
	v25 =	vpsel !p3, $0x0, v25;
	v24 =	vpsel !p3, $0x0, v24;
	v46 =	vld [tilespmem:s5+$0x440]  }
0xac: {  	v22 =	vpsel !p3, $0x0, v22;
	v47 =	vld [tilespmem:s5+$0x450];
	v33 =	vadd.f32 v34, v33;
	v32 =	vadd.f32 v35, v32  }
0xad: {  	v19 =	vpsel !p3, $0x0, v19;
	v48 =	vld [tilespmem:s5+$0x460];
	v31 =	vadd.f32 v36, v31;
	v30 =	vadd.f32 v37, v30  }
0xae: {  	v16 =	vpsel !p3, $0x0, v16;
	v49 =	vld [tilespmem:s5+$0x470];
	v29 =	vadd.f32 v38, v29;
	v28 =	vadd.f32 v39, v28  }
0xaf: {  	v14 =	vpsel !p3, $0x0, v14;
	v27 =	vadd.f32 v40, v27;
	v26 =	vadd.f32 v41, v26  }
0xb0: {  	v12 =	vpsel !p3, $0x0, v12;
	v25 =	vadd.f32 v42, v25;
	v24 =	vadd.f32 v43, v24  }
0xb1: {  	v4 =	vpsel !p3, $0x0, v4;
	v22 =	vadd.f32 v44, v22;
	v19 =	vadd.f32 v45, v19  }
0xb2: {  	v16 =	vadd.f32 v46, v16;
	v14 =	vadd.f32 v47, v14;
	v23 =	vmax.f32 v23, v34  }
0xb3: {  	v12 =	vadd.f32 v48, v12;
	v4 =	vadd.f32 v49, v4;
	v21 =	vmax.f32 v21, v35  }
0xb4: {  	v20 =	vmax.f32 v20, v36;
	v18 =	vmax.f32 v18, v37;
	v17 =	vmax.f32 v17, v38  }
0xb5: {  	v15 =	vmax.f32 v15, v39;
	v13 =	vmax.f32 v13, v40;
	v11 =	vmax.f32 v11, v41  }
0xb6: {  	v10 =	vmax.f32 v10, v42;
	v9 =	vmax.f32 v9, v43;
	v8 =	vmax.f32 v8, v44  }
0xb7: {  	v7 =	vmax.f32 v7, v45;
	v6 =	vmax.f32 v6, v46;
	v5 =	vmax.f32 v5, v47  }
0xb8: {  	v3 =	vmax.f32 v3, v48;
	v2 =	vmax.f32 v2, v49;
	v23 =	vpsel p3, v23, v34  }
0xb9: {  	v21 =	vpsel p3, v21, v35;
	v20 =	vpsel p3, v20, v36;
	v18 =	vpsel p3, v18, v37  }
0xba: {  	v17 =	vpsel p3, v17, v38;
	v15 =	vpsel p3, v15, v39;
	v13 =	vpsel p3, v13, v40  }
0xbb: {  	v11 =	vpsel p3, v11, v41;
	v10 =	vpsel p3, v10, v42;
	v9 =	vpsel p3, v9, v43  }
0xbc: {  	s28 =	sadd.s32 $0x1, s28;
	v8 =	vpsel p3, v8, v44;
	v7 =	vpsel p3, v7, v45;
	v6 =	vpsel p3, v6, v46  }
0xbd: {  	s28 =	simm.s32 @!p3 $0x1;
	v5 =	vpsel p3, v5, v47;
	v3 =	vpsel p3, v3, v48;
	v2 =	vpsel p3, v2, v49  }
.LBB2_14:
0xbe: {  	s31 =	sadd.s32 $0x1, s31  }
0xbf: {  	p4 =	sne.s32 s31, $0x40  }
.Ltmp7:
0xc0: {  	_ = 	snop;
	(pc) =	sbr.rel @!p4 .LBB2_15-.Ltmp7, $3  }
0xc1: {  	_ =	sdelay $0x1  }
0xc2: {  	p3 =	slt.s32 s0, s24  }
0xc3: {  	s21 =	smov.u32 @p3 s2  }
.LBB2_5:
0xc4: {  	v34 =	vld [tilespmem:s31+$0x4000];
	_ =	sdelay $0x4  }
0xc5: {  	(v2sf) =	vpush v34, $0x0;
	_ =	sdelay $0x8  }
0xc6: {  	s0 =	sor.u32 s30, s31  }
0xc7: {  	p3 =	sge.s32 s0, s24  }
.Ltmp8:
0xc8: {  	_ = 	snop;
	(pc) =	sbr.rel @p3 .LBB2_14-.Ltmp8, $2  }
0xc9: {  	_ =	sdelay $0x2  }
0xca: {  	s2 =	spop (v2sf)  }
0xcb: {  	p3 =	seq.s32 s2, s21  }
.Ltmp9:
0xcc: {  	_ = 	snop;
	(pc) =	sbr.rel @p3 .LBB2_13-.Ltmp9, $1  }
0xcd: {  	_ =	sdelay $0x3  }
0xce: {  	p4 =	slt.s32 s21, s23  }
.Ltmp10:
0xcf: {  	_ = 	snop;
	(pc) =	sbr.rel @p4 .LBB2_9-.Ltmp10, $1  }
0xd0: {  	_ =	sdelay $0x3  }
0xd1: {  	[tilespmem:$0x4300] =	vst v23  }
0xd2: {  	s5 =	scvt.s32.f32 s28;
	[tilespmem:$0x4310] =	vst v21  }
0xd3: {  	[tilespmem:$0x4320] =	vst v20  }
0xd4: {  	[tilespmem:$0x4330] =	vst v18;
	v34 =	vmov s5  }
0xd5: {  	[tilespmem:$0x4340] =	vst v17;
	(erf) = vrcp.f32 v34  }
0xd6: {  	[tilespmem:$0x4350] =	vst v15  }
0xd7: {  	[tilespmem:$0x4360] =	vst v13  }
0xd8: {  	[tilespmem:$0x4370] =	vst v11  }
0xd9: {  	[tilespmem:$0x4380] =	vst v10  }
0xda: {  	[tilespmem:$0x4390] =	vst v9  }
0xdb: {  	[tilespmem:$0x43A0] =	vst v8  }
0xdc: {  	[tilespmem:$0x43B0] =	vst v7  }
0xdd: {  	[tilespmem:$0x43C0] =	vst v6  }
0xde: {  	[tilespmem:$0x43D0] =	vst v5;
	v34 =	vpop (erf)  }
0xdf: {  	[tilespmem:$0x43E0] =	vst v3;
	v35 =	vmul.f32 v34, v33  }
0xe0: {  	[tilespmem:$0x43F0] =	vst v2;
	v50 =	vmul.f32 v34, v32  }
0xe1: {  	v51 =	vmul.f32 v34, v31;
	[tilespmem:$0x4200] =	vst v35  }
0xe2: {  	v52 =	vmul.f32 v34, v30;
	[tilespmem:$0x4210] =	vst v50  }
0xe3: {  	v53 =	vmul.f32 v29, v34;
	[tilespmem:$0x4220] =	vst v51  }
0xe4: {  	v54 =	vmul.f32 v28, v34;
	[tilespmem:$0x4230] =	vst v52  }
0xe5: {  	v55 =	vmul.f32 v27, v34;
	[tilespmem:$0x4240] =	vst v53  }
0xe6: {  	v56 =	vmul.f32 v26, v34;
	[tilespmem:$0x4250] =	vst v54  }
0xe7: {  	v57 =	vmul.f32 v25, v34;
	[tilespmem:$0x4260] =	vst v55  }
0xe8: {  	v58 =	vmul.f32 v24, v34;
	[tilespmem:$0x4270] =	vst v56  }
0xe9: {  	v59 =	vmul.f32 v22, v34;
	[tilespmem:$0x4280] =	vst v57  }
0xea: {  	v60 =	vmul.f32 v19, v34;
	[tilespmem:$0x4290] =	vst v58  }
0xeb: {  	v61 =	vmul.f32 v16, v34;
	[tilespmem:$0x42A0] =	vst v59  }
0xec: {  	s13 =	sshll.u32 s21, $0x9;
	s7 =	sshll.u32 s21, $0x7;
	v62 =	vmul.f32 v14, v34;
	[tilespmem:$0x42B0] =	vst v60  }
0xed: {  	s7 =	sand.u32 $0x380, s7;
	s5 =	sand.u32 $0xFFFFF000, s13;
	v63 =	vmul.f32 v12, v34;
	[tilespmem:$0x42C0] =	vst v61  }
0xee: {  	s5 =	sor.u32 s7, s5;
	v34 =	vmul.f32 v4, v34;
	[tilespmem:$0x42D0] =	vst v62  }
0xef: {  	s5 =	sshrl.u32 s5, $0x3;
	[tilespmem:$0x42E0] =	vst v63  }
0xf0: {  	s5 =	sadd.s32 s4, s5;
	[tilespmem:$0x42F0] =	vst v34  }
0xf1: {  	[hbm4b:s5+s16] =	stream.strided.scatter [tilespmem:s19], [sflag:$0x1], $0x200, s17, s16, $0x38;
	[tilespmem:$0x4600] =	vst v63  }
0xf2: {  	_ =	swait.ge [sflag:s14], $0x200  }
0xf3: {  	[sflag:s14] =	ssyncset.done $0x0  }
0xf4: {  	[sflag:s14] =	ssyncadd.s32 $0xFFFFFE00  }
.LBB2_9:
0xf5: {  	s7 =	sadd.s32 $0x1, s21  }
0xf6: {  	s5 =	smov.u32 s23;
	p4 =	sgt.s32 s7, s23  }
0xf7: {  	s5 =	smov.u32 @p4 s7  }
0xf8: {  	p4 =	sle.s32 s2, s5  }
.Ltmp11:
0xf9: {  	_ = 	snop;
	(pc) =	sbr.rel @p4 .LBB2_13-.Ltmp11, $1  }
0xfa: {  	_ =	sdelay $0x3  }
0xfb: {  	s7 =	sshll.u32 s5, $0x7;
	s13 =	sshll.u32 s5, $0x9  }
0xfc: {  	s8 =	sand.u32 $0xFFFFF000, s13;
	s9 =	sand.u32 $0x380, s7  }
0xfd: {  	p4 =	sgt.s32 s5, s2;
	s8 =	sor.u32 s9, s8;
	s9 =	smov.u32 s2  }
0xfe: {  	s9 =	smov.u32 @p4 s5  }
0xff: {  	s9 =	ssub.s32 s9, s5  }
0x100: {  	p4 =	sne.s32 s9, $0x1  }
.Ltmp12:
0x101: {  	_ = 	snop;
	(pc) =	sbr.rel @!p4 .LBB2_12-.Ltmp12, $4  }
0x102: {  	s8 =	sshrl.u32 s8, $0x3  }
0x103: {  	s8 =	sadd.s32 s4, s8  }
0x104: {  	[hbm4b:s8+s16] =	stream.strided.scatter [tilespmem:s18], [sflag:$0x1], $0x200, s17, s16, $0x38;
	[tilespmem:$0x4600] =	vst v63  }
0x105: {  	s13 =	sadd.s32 $0x200, s13;
	s5 =	sadd.s32 $0x80, s7;
	s7 =	sadd.s32 $0xFFFFFFFF, s9  }
.LBB2_11:
0x106: {  	s8 =	sand.u32 $0xFFFFF000, s13;
	s9 =	sand.u32 $0x380, s5;
	p4 =	sne.s32 s7, $0x1  }
.Ltmp13:
0x107: {  	s8 =	sor.u32 s9, s8;
	(pc) =	sbr.rel @p4 .LBB2_11-.Ltmp13, $4  }
0x108: {  	s5 =	sadd.s32 $0x80, s5;
	s8 =	sshrl.u32 s8, $0x3;
	_ =	swait.ge [sflag:s14], $0x200  }
0x109: {  	s13 =	sadd.s32 $0x200, s13;
	s8 =	sadd.s32 s4, s8;
	[sflag:s14] =	ssyncset.done $0x0  }
0x10a: {  	s7 =	sadd.s32 $0xFFFFFFFF, s7;
	[sflag:s14] =	ssyncadd.s32 $0xFFFFFE00  }
0x10b: {  	[hbm4b:s8+s16] =	stream.strided.scatter [tilespmem:s18], [sflag:$0x1], $0x200, s17, s16, $0x38;
	[tilespmem:$0x4600] =	vst v63  }
.Ltmp14:
0x10c: {  	_ = 	snop;
	(pc) =	sbr.rel .LBB2_12-.Ltmp14, $1  }
0x10d: {  	_ =	sdelay $0x3  }
.LBB2_16:
0x10e: {  	s0 =	scvt.s32.f32 s28  }
.LBB2_17:
0x10f: {  	p3 =	slt.s32 s21, s23  }
.Ltmp15:
0x110: {  	_ = 	snop;
	(pc) =	sbr.rel @p3 .LBB2_19-.Ltmp15, $1  }
0x111: {  	_ =	sdelay $0x3  }
0x112: {  	[tilespmem:$0x4300] =	vst v23  }
0x113: {  	[tilespmem:$0x4310] =	vst v21  }
0x114: {  	[tilespmem:$0x4320] =	vst v20  }
0x115: {  	v34 =	vmov s0;
	[tilespmem:$0x4330] =	vst v18  }
0x116: {  	[tilespmem:$0x4340] =	vst v17;
	(erf) = vrcp.f32 v34  }
0x117: {  	[tilespmem:$0x4350] =	vst v15  }
0x118: {  	[tilespmem:$0x4360] =	vst v13  }
0x119: {  	[tilespmem:$0x4370] =	vst v11  }
0x11a: {  	[tilespmem:$0x4380] =	vst v10  }
0x11b: {  	[tilespmem:$0x4390] =	vst v9  }
0x11c: {  	[tilespmem:$0x43A0] =	vst v8  }
0x11d: {  	[tilespmem:$0x43B0] =	vst v7  }
0x11e: {  	[tilespmem:$0x43C0] =	vst v6  }
0x11f: {  	[tilespmem:$0x43D0] =	vst v5;
	v34 =	vpop (erf)  }
0x120: {  	[tilespmem:$0x43E0] =	vst v3;
	v33 =	vmul.f32 v34, v33  }
0x121: {  	[tilespmem:$0x43F0] =	vst v2;
	v32 =	vmul.f32 v34, v32  }
0x122: {  	v51 =	vmul.f32 v34, v31;
	[tilespmem:$0x4200] =	vst v33  }
0x123: {  	v52 =	vmul.f32 v34, v30;
	[tilespmem:$0x4210] =	vst v32  }
0x124: {  	v53 =	vmul.f32 v29, v34;
	[tilespmem:$0x4220] =	vst v51  }
0x125: {  	v54 =	vmul.f32 v28, v34;
	[tilespmem:$0x4230] =	vst v52  }
0x126: {  	v55 =	vmul.f32 v27, v34;
	[tilespmem:$0x4240] =	vst v53  }
0x127: {  	v56 =	vmul.f32 v26, v34;
	[tilespmem:$0x4250] =	vst v54  }
0x128: {  	v57 =	vmul.f32 v25, v34;
	[tilespmem:$0x4260] =	vst v55  }
0x129: {  	v58 =	vmul.f32 v24, v34;
	[tilespmem:$0x4270] =	vst v56  }
0x12a: {  	v59 =	vmul.f32 v22, v34;
	[tilespmem:$0x4280] =	vst v57  }
0x12b: {  	v60 =	vmul.f32 v19, v34;
	[tilespmem:$0x4290] =	vst v58  }
0x12c: {  	v61 =	vmul.f32 v16, v34;
	[tilespmem:$0x42A0] =	vst v59  }
0x12d: {  	s31 =	sshll.u32 s21, $0x9;
	s2 =	sshll.u32 s21, $0x7;
	v62 =	vmul.f32 v14, v34;
	[tilespmem:$0x42B0] =	vst v60  }
0x12e: {  	s0 =	sand.u32 $0xFFFFF000, s31;
	s2 =	sand.u32 $0x380, s2;
	v63 =	vmul.f32 v12, v34;
	[tilespmem:$0x42C0] =	vst v61  }
0x12f: {  	s0 =	sor.u32 s2, s0;
	v4 =	vmul.f32 v4, v34;
	[tilespmem:$0x42D0] =	vst v62  }
0x130: {  	s0 =	sshrl.u32 s0, $0x3;
	[tilespmem:$0x42E0] =	vst v63  }
0x131: {  	s0 =	sadd.s32 s4, s0;
	[tilespmem:$0x42F0] =	vst v4  }
0x132: {  	[hbm4b:s0+s16] =	stream.strided.scatter [tilespmem:s19], [sflag:$0x1], $0x200, s17, s16, $0x38;
	[tilespmem:$0x4600] =	vst v63  }
0x133: {  	_ =	swait.ge [sflag:s14], $0x200  }
0x134: {  	[sflag:s14] =	ssyncset.done $0x0  }
0x135: {  	[sflag:s14] =	ssyncadd.s32 $0xFFFFFE00  }
.LBB2_19:
0x136: {  	s2 =	sadd.s32 $0x1, s21  }
0x137: {  	s0 =	sadd.s32 $0x1, s22;
	p3 =	sgt.s32 s2, s23  }
0x138: {  	s0 =	simm.s32 @p1 $0x2710;
	s23 =	smov.u32 @p3 s2  }
0x139: {  	p3 =	sle.s32 s0, s23  }
.Ltmp16:
0x13a: {  	_ = 	snop;
	(pc) =	sbr.rel @p3 .LBB2_23-.Ltmp16, $1  }
0x13b: {  	_ =	sdelay $0x3  }
0x13c: {  	p3 =	sgt.s32 s23, s0  }
0x13d: {  	s0 =	smov.u32 @p3 s23  }
0x13e: {  	s30 =	ssub.s32 s0, s23  }
0x13f: {  	s2 =	sshll.u32 s23, $0x7;
	s5 =	sshll.u32 s23, $0x9;
	p3 =	sne.s32 s30, $0x1  }
.Ltmp17:
0x140: {  	s7 =	sand.u32 $0xFFFFF000, s5;
	s8 =	sand.u32 $0x380, s2;
	(pc) =	sbr.rel @!p3 .LBB2_22-.Ltmp17, $4  }
0x141: {  	s7 =	sor.u32 s8, s7  }
0x142: {  	s0 =	sadd.s32 $0x80, s2;
	s7 =	sshrl.u32 s7, $0x3  }
0x143: {  	s2 =	sadd.s32 $0x200, s5;
	s5 =	sadd.s32 $0xFFFFFFFF, s30;
	s31 =	sadd.s32 s4, s7  }
0x144: {  	[hbm4b:s31+s16] =	stream.strided.scatter [tilespmem:s18], [sflag:$0x1], $0x200, s17, s16, $0x38;
	[tilespmem:$0x4600] =	vst v63  }
.LBB2_21:
0x145: {  	s7 =	sand.u32 $0xFFFFF000, s2;
	s8 =	sand.u32 $0x380, s0;
	p3 =	sne.s32 s5, $0x1  }
.Ltmp18:
0x146: {  	s7 =	sor.u32 s8, s7;
	(pc) =	sbr.rel @p3 .LBB2_21-.Ltmp18, $4  }
0x147: {  	s0 =	sadd.s32 $0x80, s0;
	s7 =	sshrl.u32 s7, $0x3;
	_ =	swait.ge [sflag:s14], $0x200  }
0x148: {  	s2 =	sadd.s32 $0x200, s2;
	s7 =	sadd.s32 s4, s7;
	[sflag:s14] =	ssyncset.done $0x0  }
0x149: {  	s5 =	sadd.s32 $0xFFFFFFFF, s5;
	[sflag:s14] =	ssyncadd.s32 $0xFFFFFE00  }
0x14a: {  	[hbm4b:s7+s16] =	stream.strided.scatter [tilespmem:s18], [sflag:$0x1], $0x200, s17, s16, $0x38;
	[tilespmem:$0x4600] =	vst v63  }
.Ltmp19:
0x14b: {  	_ = 	snop;
	(pc) =	sbr.rel .LBB2_22-.Ltmp19, $1  }
0x14c: {  	_ =	sdelay $0x3  }
.LBB2_24:
0x14d: {  	_ =	sfence.sel $0x180000  }
0x14e: {  	[bflag:$0x0] =	sbarrier.arrive $0xFFFF  }
0x14f: {  	_ =	strace $0x90000047  }
0x150: {  	s0 =	stileid.u32;
	[bflag:$0x2] =	sbarrier.arrive $0xFFFF  }
0x151: {  	p0 =	sne.s32 s0, $0x0;
	s0 =	rddreg [dreg:$0x3]  }
0x152: {  	s0 =	sadd.s32 @!p0 $0x100000, s0  }
0x153: {  	[sflag:s0] =	ssyncadd.tile.s32 @!p0 $0x1;
	_ =	shalt  }
.Lfunc_end2:
_tile_overlayer_lowered:
.L_overlay_start_2:
0x154: {  	(tag) =	ssettag $0x2  }
0x155: {  	s0 =	rddreg [dreg:$0x0];
	s2 =	stileid.u32  }
0x156: {  	s1 =	rddreg [dreg:$0x1];
	p0 =	sne.s32 s2, $0x0  }
0x157: {  	s3 =	rddreg [dreg:$0x2];
	[bflag:$0x3] =	sbarrier.arrive $0xFFFF;
	s2 =	simm.s32 @!p0 $0x1C01  }
0x158: {  	[timem:s3], [sflag:s2] =	dma.local @!p0 [hbm:s0], s1  }
0x159: {  	s0 =	simm.s32 @!p0 $0x1  }
0x15a: {  	_ =	swait.ge @!p0 [sflag:s0], s1  }
0x15b: {  	s1 =	ssub.s32 @!p0 $0x0, s1;
	[sflag:s0] =	ssyncset.done @!p0 $0x0  }
0x15c: {  	[sflag:s0] =	ssyncadd.s32 @!p0 s1  }
0x15d: {  	[bflag:$0x3] =	sbarrier.arrive $0xFFFF  }
0x15e: {  	_ =	shalt  }

</sc_bundles>
